<compile_context>
chip_gen: v7x
topology: tpu7x:2x2x1
jax: 0.10.2.dev20260603
libtpu: 0.0.44.dev20260713+nightly
codegen_flags: <defaults>
</compile_context>

<pallas_src>
import functools

import jax
import jax.numpy as jnp
from jax import lax
from jax.experimental import pallas as pl
from jax.experimental.pallas import tpu as pltpu
from jax.experimental.pallas import tpu_sc as plsc

_N_STATES = 512
_BATCH = 128
_SEQ = 8192

_NC = 2
_NS = 16
_L = 16
_NW = _NC * _NS
_ROWS_W = _BATCH // _NW
_VECS = _SEQ // _L

_LN2 = 0.6931471805599453


def _log_vec(s):
    bits = lax.bitcast_convert_type(s, jnp.int32)
    e = ((bits >> 23) & 0xFF) - 127
    mant = lax.bitcast_convert_type(
        (bits & 0x007FFFFF) | 0x3F800000, jnp.float32)
    y = e.astype(jnp.float32) * _LN2 + (mant - 1.0)
    for _ in range(4):
        y = y - 1.0 + s * jnp.exp(-y)
    return y


@functools.partial(
    pl.kernel,
    mesh=plsc.VectorSubcoreMesh(core_axis_name="c", subcore_axis_name="s"),
    out_type=jax.ShapeDtypeStruct((_BATCH, _SEQ), jnp.float32),
    scratch_types=[
        pltpu.VMEM((_N_STATES,), jnp.float32),
        pltpu.VMEM((_ROWS_W * _SEQ,), jnp.int32),
        pltpu.VMEM((_ROWS_W * _SEQ,), jnp.float32),
        [pltpu.SemaphoreType.DMA] * _ROWS_W,
        [pltpu.SemaphoreType.DMA] * _ROWS_W,
    ],
    compiler_params=pltpu.CompilerParams(needs_layout_passes=False),
)
def _sc_logprob(logits_hbm, value_hbm, out_hbm, table_v, idx_v, out_v,
                sems_in, sems_out):
    wid = lax.axis_index("s") * _NC + lax.axis_index("c")
    row0 = wid * _ROWS_W

    h_in = [
        pltpu.async_copy(value_hbm.at[row0 + r],
                         idx_v.at[pl.ds(r * _SEQ, _SEQ)], sems_in[r])
        for r in range(_ROWS_W)
    ]
    pltpu.sync_copy(logits_hbm, table_v)

    def max_body(i, acc):
        return jnp.maximum(acc, table_v[pl.ds(i * _L, _L)])

    m16 = lax.fori_loop(0, _N_STATES // _L, max_body,
                        jnp.full((_L,), -jnp.inf, jnp.float32))
    m = jnp.max(m16)
    mv = jnp.full((_L,), 0.0, jnp.float32) + m

    def sum_body(i, acc):
        return acc + jnp.exp(table_v[pl.ds(i * _L, _L)] - mv)

    s16 = lax.fori_loop(0, _N_STATES // _L, sum_body,
                        jnp.zeros((_L,), jnp.float32))
    sv = jnp.full((_L,), 0.0, jnp.float32) + jnp.sum(s16)
    lse = mv + _log_vec(sv)

    h_out = []
    for p in range(_ROWS_W // 2):
        h_in[2 * p].wait()
        h_in[2 * p + 1].wait()

        @plsc.parallel_loop(2 * p * _SEQ, 2 * (p + 1) * _SEQ, step=_L,
                            unroll=16)
        def gather_body(i):
            idx = idx_v[pl.ds(i, _L)]
            out_v[pl.ds(i, _L)] = plsc.load_gather(table_v, [idx]) - lse

        for r in (2 * p, 2 * p + 1):
            h_out.append(
                pltpu.async_copy(out_v.at[pl.ds(r * _SEQ, _SEQ)],
                                 out_hbm.at[row0 + r], sems_out[r]))
    for h in h_out:
        h.wait()


def kernel(logits, value):
    return _sc_logprob(logits, value)

# --- scband reference (transcript-rebuilt; emitter-appended) ---
"""Pipeline reference for scband-initial-distribution-3075196584547 (READ-ONLY COPY).

The authoritative reference and input builder live on the scoring server;
editing this copy changes nothing except your own understanding.
"""

import jax, jax.numpy as jnp
import numpy as np

N_STATES = 512
BATCH = 128
SEQ = 8192


def setup_inputs(seed: int = 0) -> dict:
    key = jax.random.key(seed)
    k1, k2 = jax.random.split(key)
    # Learned parameter: logits of the initial-state distribution.
    # Matches the init_kwargs (zeros of shape [n_states]).
    logits = jnp.zeros((N_STATES,), dtype=jnp.float32)
    # Forward arg: state indices to evaluate log_prob at.
    value = jax.random.randint(k2, (BATCH, SEQ), 0, N_STATES)
    return {"logits": logits, "value": value}


def reference(logits, value):
    # torch.distributions.Categorical(logits=l).log_prob(v)
    #   == (l - logsumexp(l))[v]
    norm_logits = logits - jax.scipy.special.logsumexp(logits, axis=-1)
    return jnp.take(norm_logits, value, axis=0)

if __name__ == "__main__":
    import jax
    _d = setup_inputs()
    print(jax.jit(kernel)(*tuple(_d.values())))

</pallas_src>

<mosaic_0001>
#map = affine_map<(d0, d1) -> (0)>
#map1 = affine_map<(d0, d1) -> (0, 0)>
module attributes {stable_mosaic.version = 14 : i64} {
  func.func @_sc_logprob(%arg0: i32, %arg1: i32, %arg2: memref<512xf32, #tpu.memory_space<hbm>>, %arg3: memref<128x8192xi32, #tpu.memory_space<hbm>>, %arg4: memref<128x8192xf32, #tpu.memory_space<hbm>>, %arg5: memref<512xf32, #tpu.memory_space<vmem>>, %arg6: memref<32768xi32, #tpu.memory_space<vmem>>, %arg7: memref<32768xf32, #tpu.memory_space<vmem>>, %arg8: memref<!tpu.dma_semaphore, #tpu.memory_space<semaphore_mem>>, %arg9: memref<!tpu.dma_semaphore, #tpu.memory_space<semaphore_mem>>, %arg10: memref<!tpu.dma_semaphore, #tpu.memory_space<semaphore_mem>>, %arg11: memref<!tpu.dma_semaphore, #tpu.memory_space<semaphore_mem>>, %arg12: memref<!tpu.dma_semaphore, #tpu.memory_space<semaphore_mem>>, %arg13: memref<!tpu.dma_semaphore, #tpu.memory_space<semaphore_mem>>, %arg14: memref<!tpu.dma_semaphore, #tpu.memory_space<semaphore_mem>>, %arg15: memref<!tpu.dma_semaphore, #tpu.memory_space<semaphore_mem>>) attributes {dimension_semantics = [#tpu.dimension_semantics<core_parallel>, #tpu.dimension_semantics<subcore_parallel>], iteration_bounds = array<i64: 2, 16>, scalar_prefetch = 0 : i64, scratch_operands = 11 : i64, tpu.core_type = #tpu.core_type<sc_vector_subcore>, window_params = [{transform_indices = #map}, {transform_indices = #map1}, {transform_indices = #map1}]} {
    %mul3A = arith.constant 2 : i32
    %mul3A_0 = arith.muli %arg1, %mul3A : i32
    %add3A = arith.addi %mul3A_0, %arg0 : i32
    %mul3A_1 = arith.constant 4 : i32
    %mul3A_2 = arith.muli %add3A, %mul3A_1 : i32
    %add3A_3 = arith.constant 0 : i32
    %add3A_4 = arith.addi %mul3A_2, %add3A_3 : i32
    %dma_start3A = arith.constant 0 : i32
    %dma_start3A_5 = tpu.memref_slice %arg6[%dma_start3A] : memref<32768xi32, #tpu.memory_space<vmem>> -> memref<8192xi32, #tpu.memory_space<vmem>>
    %dma_start3A_6 = arith.constant 0 : i32
    %dma_start3A_7 = tpu.memref_slice %arg3[%add3A_4, %dma_start3A_6] : memref<128x8192xi32, #tpu.memory_space<hbm>> -> memref<1x8192xi32, #tpu.memory_space<hbm>>
    %dma_start3A_8 = tpu.memref_squeeze %dma_start3A_7 : memref<1x8192xi32, #tpu.memory_space<hbm>> -> memref<8192xi32, #tpu.memory_space<hbm>>
    %dma_start3A_9 = arith.constant 0 : i32
    %dma_start3A_10 = tpu.memref_slice %arg6[%dma_start3A_9] : memref<32768xi32, #tpu.memory_space<vmem>> -> memref<8192xi32, #tpu.memory_space<vmem>>
    %dma_start3A_11 = arith.constant 0 : i32
    %dma_start3A_12 = tpu.memref_slice %arg3[%add3A_4, %dma_start3A_11] : memref<128x8192xi32, #tpu.memory_space<hbm>> -> memref<1x8192xi32, #tpu.memory_space<hbm>>
    %dma_start3A_13 = tpu.memref_squeeze %dma_start3A_12 : memref<1x8192xi32, #tpu.memory_space<hbm>> -> memref<8192xi32, #tpu.memory_space<hbm>>
    tpu.enqueue_dma source(%dma_start3A_13 : memref<8192xi32, #tpu.memory_space<hbm>>) target(%dma_start3A_10 : memref<8192xi32, #tpu.memory_space<vmem>>) target_semaphore(%arg8 : memref<!tpu.dma_semaphore, #tpu.memory_space<semaphore_mem>>)
    %add3A_14 = arith.constant 1 : i32
    %add3A_15 = arith.addi %mul3A_2, %add3A_14 : i32
    %dma_start3A_16 = arith.constant 8192 : i32
    %dma_start3A_17 = tpu.memref_slice %arg6[%dma_start3A_16] : memref<32768xi32, #tpu.memory_space<vmem>> -> memref<8192xi32, #tpu.memory_space<vmem>>
    %dma_start3A_18 = arith.constant 0 : i32
    %dma_start3A_19 = tpu.memref_slice %arg3[%add3A_15, %dma_start3A_18] : memref<128x8192xi32, #tpu.memory_space<hbm>> -> memref<1x8192xi32, #tpu.memory_space<hbm>>
    %dma_start3A_20 = tpu.memref_squeeze %dma_start3A_19 : memref<1x8192xi32, #tpu.memory_space<hbm>> -> memref<8192xi32, #tpu.memory_space<hbm>>
    %dma_start3A_21 = arith.constant 8192 : i32
    %dma_start3A_22 = tpu.memref_slice %arg6[%dma_start3A_21] : memref<32768xi32, #tpu.memory_space<vmem>> -> memref<8192xi32, #tpu.memory_space<vmem>>
    %dma_start3A_23 = arith.constant 0 : i32
    %dma_start3A_24 = tpu.memref_slice %arg3[%add3A_15, %dma_start3A_23] : memref<128x8192xi32, #tpu.memory_space<hbm>> -> memref<1x8192xi32, #tpu.memory_space<hbm>>
    %dma_start3A_25 = tpu.memref_squeeze %dma_start3A_24 : memref<1x8192xi32, #tpu.memory_space<hbm>> -> memref<8192xi32, #tpu.memory_space<hbm>>
    tpu.enqueue_dma source(%dma_start3A_25 : memref<8192xi32, #tpu.memory_space<hbm>>) target(%dma_start3A_22 : memref<8192xi32, #tpu.memory_space<vmem>>) target_semaphore(%arg9 : memref<!tpu.dma_semaphore, #tpu.memory_space<semaphore_mem>>)
    %add3A_26 = arith.constant 2 : i32
    %add3A_27 = arith.addi %mul3A_2, %add3A_26 : i32
    %dma_start3A_28 = arith.constant 16384 : i32
    %dma_start3A_29 = tpu.memref_slice %arg6[%dma_start3A_28] : memref<32768xi32, #tpu.memory_space<vmem>> -> memref<8192xi32, #tpu.memory_space<vmem>>
    %dma_start3A_30 = arith.constant 0 : i32
    %dma_start3A_31 = tpu.memref_slice %arg3[%add3A_27, %dma_start3A_30] : memref<128x8192xi32, #tpu.memory_space<hbm>> -> memref<1x8192xi32, #tpu.memory_space<hbm>>
    %dma_start3A_32 = tpu.memref_squeeze %dma_start3A_31 : memref<1x8192xi32, #tpu.memory_space<hbm>> -> memref<8192xi32, #tpu.memory_space<hbm>>
    %dma_start3A_33 = arith.constant 16384 : i32
    %dma_start3A_34 = tpu.memref_slice %arg6[%dma_start3A_33] : memref<32768xi32, #tpu.memory_space<vmem>> -> memref<8192xi32, #tpu.memory_space<vmem>>
    %dma_start3A_35 = arith.constant 0 : i32
    %dma_start3A_36 = tpu.memref_slice %arg3[%add3A_27, %dma_start3A_35] : memref<128x8192xi32, #tpu.memory_space<hbm>> -> memref<1x8192xi32, #tpu.memory_space<hbm>>
    %dma_start3A_37 = tpu.memref_squeeze %dma_start3A_36 : memref<1x8192xi32, #tpu.memory_space<hbm>> -> memref<8192xi32, #tpu.memory_space<hbm>>
    tpu.enqueue_dma source(%dma_start3A_37 : memref<8192xi32, #tpu.memory_space<hbm>>) target(%dma_start3A_34 : memref<8192xi32, #tpu.memory_space<vmem>>) target_semaphore(%arg10 : memref<!tpu.dma_semaphore, #tpu.memory_space<semaphore_mem>>)
    %add3A_38 = arith.constant 3 : i32
    %add3A_39 = arith.addi %mul3A_2, %add3A_38 : i32
    %dma_start3A_40 = arith.constant 24576 : i32
    %dma_start3A_41 = tpu.memref_slice %arg6[%dma_start3A_40] : memref<32768xi32, #tpu.memory_space<vmem>> -> memref<8192xi32, #tpu.memory_space<vmem>>
    %dma_start3A_42 = arith.constant 0 : i32
    %dma_start3A_43 = tpu.memref_slice %arg3[%add3A_39, %dma_start3A_42] : memref<128x8192xi32, #tpu.memory_space<hbm>> -> memref<1x8192xi32, #tpu.memory_space<hbm>>
    %dma_start3A_44 = tpu.memref_squeeze %dma_start3A_43 : memref<1x8192xi32, #tpu.memory_space<hbm>> -> memref<8192xi32, #tpu.memory_space<hbm>>
    %dma_start3A_45 = arith.constant 24576 : i32
    %dma_start3A_46 = tpu.memref_slice %arg6[%dma_start3A_45] : memref<32768xi32, #tpu.memory_space<vmem>> -> memref<8192xi32, #tpu.memory_space<vmem>>
    %dma_start3A_47 = arith.constant 0 : i32
    %dma_start3A_48 = tpu.memref_slice %arg3[%add3A_39, %dma_start3A_47] : memref<128x8192xi32, #tpu.memory_space<hbm>> -> memref<1x8192xi32, #tpu.memory_space<hbm>>
    %dma_start3A_49 = tpu.memref_squeeze %dma_start3A_48 : memref<1x8192xi32, #tpu.memory_space<hbm>> -> memref<8192xi32, #tpu.memory_space<hbm>>
    tpu.enqueue_dma source(%dma_start3A_49 : memref<8192xi32, #tpu.memory_space<hbm>>) target(%dma_start3A_46 : memref<8192xi32, #tpu.memory_space<vmem>>) target_semaphore(%arg11 : memref<!tpu.dma_semaphore, #tpu.memory_space<semaphore_mem>>)
    "tpu.region"() ({
      %run_scoped3A = tpu.sem_alloc : memref<!tpu.dma_semaphore, #tpu.memory_space<semaphore_mem>>
      tpu.enqueue_dma source(%arg2 : memref<512xf32, #tpu.memory_space<hbm>>) target(%arg5 : memref<512xf32, #tpu.memory_space<vmem>>) target_semaphore(%run_scoped3A : memref<!tpu.dma_semaphore, #tpu.memory_space<semaphore_mem>>)
      tpu.wait_dma2 semaphore(%run_scoped3A : memref<!tpu.dma_semaphore, #tpu.memory_space<semaphore_mem>>) src(%arg2 : memref<512xf32, #tpu.memory_space<hbm>>) dst(%arg5 : memref<512xf32, #tpu.memory_space<vmem>>)
      tpu.yield
    }) : () -> ()
    %broadcast_in_dim3A = arith.constant 0xFF800000 : f32
    %broadcast_in_dim3A_50 = vector.broadcast %broadcast_in_dim3A : f32 to vector<16xf32>
    %scan3A = arith.constant 0 : i32
    %scan3A_51 = arith.constant 32 : i32
    %scan3A_52 = arith.addi %scan3A, %scan3A_51 : i32
    %scan3A_53 = arith.constant 1 : i32
    %scan3A_54 = scf.for %scan3A_264 = %scan3A to %scan3A_52 step %scan3A_53 iter_args(%scan3A_265 = %broadcast_in_dim3A_50) -> (vector<16xf32>)  : i32 {
      %mul3A_266 = arith.constant 16 : i32
      %mul3A_267 = arith.muli %scan3A_264, %mul3A_266 : i32
      %get3A = arith.index_cast %mul3A_267 : i32 to index
      %get3A_268 = tpu.vector_load %arg5[%get3A] {strides = array<i32>} : memref<512xf32, #tpu.memory_space<vmem>>, vector<16xf32>,
      %max3A = arith.maximumf %scan3A_265, %get3A_268 : vector<16xf32>
      scf.yield %max3A : vector<16xf32>
    }
    %scan3A_55 = arith.constant 32 : i32
    %reduce_max3A = arith.constant true
    %reduce_max3A_56 = vector.broadcast %reduce_max3A : i1 to vector<16xi1>
    %reduce_max3A_57 = tpu.scan <max>, %scan3A_54 masked %reduce_max3A_56 : vector<16xf32>, vector<16xi1> -> vector<16xf32>
    %reduce_max3A_58 = vector.extract %reduce_max3A_57[15] : f32 from vector<16xf32>
    %broadcast_in_dim3A_59 = arith.constant 0.000000e+00 : f32
    %broadcast_in_dim3A_60 = vector.broadcast %broadcast_in_dim3A_59 : f32 to vector<16xf32>
    %add3A_61 = vector.broadcast %reduce_max3A_58 : f32 to vector<16xf32>
    %add3A_62 = arith.addf %broadcast_in_dim3A_60, %add3A_61 : vector<16xf32>
    %broadcast_in_dim3A_63 = arith.constant 0.000000e+00 : f32
    %broadcast_in_dim3A_64 = vector.broadcast %broadcast_in_dim3A_63 : f32 to vector<16xf32>
    %scan3A_65 = arith.constant 0 : i32
    %scan3A_66 = arith.constant 32 : i32
    %scan3A_67 = arith.addi %scan3A_65, %scan3A_66 : i32
    %scan3A_68 = arith.constant 1 : i32
    %scan3A_69 = scf.for %scan3A_264 = %scan3A_65 to %scan3A_67 step %scan3A_68 iter_args(%scan3A_265 = %broadcast_in_dim3A_64) -> (vector<16xf32>)  : i32 {
      %mul3A_266 = arith.constant 16 : i32
      %mul3A_267 = arith.muli %scan3A_264, %mul3A_266 : i32
      %get3A = arith.index_cast %mul3A_267 : i32 to index
      %get3A_268 = tpu.vector_load %arg5[%get3A] {strides = array<i32>} : memref<512xf32, #tpu.memory_space<vmem>>, vector<16xf32>,
      %sub3A_269 = arith.subf %get3A_268, %add3A_62 : vector<16xf32>
      %exp3A_270 = math.exp %sub3A_269 : vector<16xf32>
      %add3A_271 = arith.addf %scan3A_265, %exp3A_270 : vector<16xf32>
      scf.yield %add3A_271 : vector<16xf32>
    }
    %scan3A_70 = arith.constant 32 : i32
    %broadcast_in_dim3A_71 = arith.constant 0.000000e+00 : f32
    %broadcast_in_dim3A_72 = vector.broadcast %broadcast_in_dim3A_71 : f32 to vector<16xf32>
    %reduce_sum3A = arith.constant true
    %reduce_sum3A_73 = vector.broadcast %reduce_sum3A : i1 to vector<16xi1>
    %reduce_sum3A_74 = tpu.scan <sum>, %scan3A_69 masked %reduce_sum3A_73 : vector<16xf32>, vector<16xi1> -> vector<16xf32>
    %reduce_sum3A_75 = vector.extract %reduce_sum3A_74[15] : f32 from vector<16xf32>
    %add3A_76 = vector.broadcast %reduce_sum3A_75 : f32 to vector<16xf32>
    %add3A_77 = arith.addf %broadcast_in_dim3A_72, %add3A_76 : vector<16xf32>
    %bitcast_convert_type3A = tpu.bitcast %add3A_77 : vector<16xf32> -> vector<16xi32>
    %shift_right_arithmetic3A = arith.constant 23 : i32
    %shift_right_arithmetic3A_78 = vector.broadcast %shift_right_arithmetic3A : i32 to vector<16xi32>
    %shift_right_arithmetic3A_79 = arith.shrsi %bitcast_convert_type3A, %shift_right_arithmetic3A_78 : vector<16xi32>
    %and3A = arith.constant 255 : i32
    %and3A_80 = vector.broadcast %and3A : i32 to vector<16xi32>
    %and3A_81 = arith.andi %shift_right_arithmetic3A_79, %and3A_80 : vector<16xi32>
    %sub3A = arith.constant 127 : i32
    %sub3A_82 = vector.broadcast %sub3A : i32 to vector<16xi32>
    %sub3A_83 = arith.subi %and3A_81, %sub3A_82 : vector<16xi32>
    %and3A_84 = arith.constant 8388607 : i32
    %and3A_85 = vector.broadcast %and3A_84 : i32 to vector<16xi32>
    %and3A_86 = arith.andi %bitcast_convert_type3A, %and3A_85 : vector<16xi32>
    %or3A = arith.constant 1065353216 : i32
    %or3A_87 = vector.broadcast %or3A : i32 to vector<16xi32>
    %or3A_88 = arith.ori %and3A_86, %or3A_87 : vector<16xi32>
    %bitcast_convert_type3A_89 = tpu.bitcast %or3A_88 : vector<16xi32> -> vector<16xf32>
    %convert_element_type3A = arith.sitofp %sub3A_83 : vector<16xi32> to vector<16xf32>
    %mul3A_90 = arith.constant 0.693147182 : f32
    %mul3A_91 = vector.broadcast %mul3A_90 : f32 to vector<16xf32>
    %mul3A_92 = arith.mulf %convert_element_type3A, %mul3A_91 : vector<16xf32>
    %sub3A_93 = arith.constant 1.000000e+00 : f32
    %sub3A_94 = vector.broadcast %sub3A_93 : f32 to vector<16xf32>
    %sub3A_95 = arith.subf %bitcast_convert_type3A_89, %sub3A_94 : vector<16xf32>
    %add3A_96 = arith.addf %mul3A_92, %sub3A_95 : vector<16xf32>
    %sub3A_97 = arith.constant 1.000000e+00 : f32
    %sub3A_98 = vector.broadcast %sub3A_97 : f32 to vector<16xf32>
    %sub3A_99 = arith.subf %add3A_96, %sub3A_98 : vector<16xf32>
    %neg3A = arith.constant 0.000000e+00 : f32
    %neg3A_100 = vector.broadcast %neg3A : f32 to vector<16xf32>
    %neg3A_101 = arith.subf %neg3A_100, %add3A_96 : vector<16xf32>
    %exp3A = math.exp %neg3A_101 : vector<16xf32>
    %mul3A_102 = arith.mulf %add3A_77, %exp3A : vector<16xf32>
    %add3A_103 = arith.addf %sub3A_99, %mul3A_102 : vector<16xf32>
    %sub3A_104 = arith.constant 1.000000e+00 : f32
    %sub3A_105 = vector.broadcast %sub3A_104 : f32 to vector<16xf32>
    %sub3A_106 = arith.subf %add3A_103, %sub3A_105 : vector<16xf32>
    %neg3A_107 = arith.constant 0.000000e+00 : f32
    %neg3A_108 = vector.broadcast %neg3A_107 : f32 to vector<16xf32>
    %neg3A_109 = arith.subf %neg3A_108, %add3A_103 : vector<16xf32>
    %exp3A_110 = math.exp %neg3A_109 : vector<16xf32>
    %mul3A_111 = arith.mulf %add3A_77, %exp3A_110 : vector<16xf32>
    %add3A_112 = arith.addf %sub3A_106, %mul3A_111 : vector<16xf32>
    %sub3A_113 = arith.constant 1.000000e+00 : f32
    %sub3A_114 = vector.broadcast %sub3A_113 : f32 to vector<16xf32>
    %sub3A_115 = arith.subf %add3A_112, %sub3A_114 : vector<16xf32>
    %neg3A_116 = arith.constant 0.000000e+00 : f32
    %neg3A_117 = vector.broadcast %neg3A_116 : f32 to vector<16xf32>
    %neg3A_118 = arith.subf %neg3A_117, %add3A_112 : vector<16xf32>
    %exp3A_119 = math.exp %neg3A_118 : vector<16xf32>
    %mul3A_120 = arith.mulf %add3A_77, %exp3A_119 : vector<16xf32>
    %add3A_121 = arith.addf %sub3A_115, %mul3A_120 : vector<16xf32>
    %sub3A_122 = arith.constant 1.000000e+00 : f32
    %sub3A_123 = vector.broadcast %sub3A_122 : f32 to vector<16xf32>
    %sub3A_124 = arith.subf %add3A_121, %sub3A_123 : vector<16xf32>
    %neg3A_125 = arith.constant 0.000000e+00 : f32
    %neg3A_126 = vector.broadcast %neg3A_125 : f32 to vector<16xf32>
    %neg3A_127 = arith.subf %neg3A_126, %add3A_121 : vector<16xf32>
    %exp3A_128 = math.exp %neg3A_127 : vector<16xf32>
    %mul3A_129 = arith.mulf %add3A_77, %exp3A_128 : vector<16xf32>
    %add3A_130 = arith.addf %sub3A_124, %mul3A_129 : vector<16xf32>
    %add3A_131 = arith.addf %add3A_62, %add3A_130 : vector<16xf32>
    %dma_wait3A = arith.constant 0 : i32
    %dma_wait3A_132 = tpu.memref_slice %arg6[%dma_wait3A] : memref<32768xi32, #tpu.memory_space<vmem>> -> memref<8192xi32, #tpu.memory_space<vmem>>
    %dma_wait3A_133 = arith.constant 0 : i32
    %dma_wait3A_134 = tpu.memref_slice %arg3[%add3A_4, %dma_wait3A_133] : memref<128x8192xi32, #tpu.memory_space<hbm>> -> memref<1x8192xi32, #tpu.memory_space<hbm>>
    %dma_wait3A_135 = tpu.memref_squeeze %dma_wait3A_134 : memref<1x8192xi32, #tpu.memory_space<hbm>> -> memref<8192xi32, #tpu.memory_space<hbm>>
    %dma_wait3A_136 = arith.constant 0 : i32
    %dma_wait3A_137 = tpu.memref_slice %arg6[%dma_wait3A_136] : memref<32768xi32, #tpu.memory_space<vmem>> -> memref<8192xi32, #tpu.memory_space<vmem>>
    %dma_wait3A_138 = arith.constant 0 : i32
    %dma_wait3A_139 = tpu.memref_slice %arg3[%add3A_4, %dma_wait3A_138] : memref<128x8192xi32, #tpu.memory_space<hbm>> -> memref<1x8192xi32, #tpu.memory_space<hbm>>
    %dma_wait3A_140 = tpu.memref_squeeze %dma_wait3A_139 : memref<1x8192xi32, #tpu.memory_space<hbm>> -> memref<8192xi32, #tpu.memory_space<hbm>>
    tpu.wait_dma2 semaphore(%arg8 : memref<!tpu.dma_semaphore, #tpu.memory_space<semaphore_mem>>) src(%dma_wait3A_140 : memref<8192xi32, #tpu.memory_space<hbm>>) dst(%dma_wait3A_137 : memref<8192xi32, #tpu.memory_space<vmem>>)
    %dma_wait3A_141 = arith.constant 8192 : i32
    %dma_wait3A_142 = tpu.memref_slice %arg6[%dma_wait3A_141] : memref<32768xi32, #tpu.memory_space<vmem>> -> memref<8192xi32, #tpu.memory_space<vmem>>
    %dma_wait3A_143 = arith.constant 0 : i32
    %dma_wait3A_144 = tpu.memref_slice %arg3[%add3A_15, %dma_wait3A_143] : memref<128x8192xi32, #tpu.memory_space<hbm>> -> memref<1x8192xi32, #tpu.memory_space<hbm>>
    %dma_wait3A_145 = tpu.memref_squeeze %dma_wait3A_144 : memref<1x8192xi32, #tpu.memory_space<hbm>> -> memref<8192xi32, #tpu.memory_space<hbm>>
    %dma_wait3A_146 = arith.constant 8192 : i32
    %dma_wait3A_147 = tpu.memref_slice %arg6[%dma_wait3A_146] : memref<32768xi32, #tpu.memory_space<vmem>> -> memref<8192xi32, #tpu.memory_space<vmem>>
    %dma_wait3A_148 = arith.constant 0 : i32
    %dma_wait3A_149 = tpu.memref_slice %arg3[%add3A_15, %dma_wait3A_148] : memref<128x8192xi32, #tpu.memory_space<hbm>> -> memref<1x8192xi32, #tpu.memory_space<hbm>>
    %dma_wait3A_150 = tpu.memref_squeeze %dma_wait3A_149 : memref<1x8192xi32, #tpu.memory_space<hbm>> -> memref<8192xi32, #tpu.memory_space<hbm>>
    tpu.wait_dma2 semaphore(%arg9 : memref<!tpu.dma_semaphore, #tpu.memory_space<semaphore_mem>>) src(%dma_wait3A_150 : memref<8192xi32, #tpu.memory_space<hbm>>) dst(%dma_wait3A_147 : memref<8192xi32, #tpu.memory_space<vmem>>)
    %parallel_loop3A = arith.constant 0 : i32
    %parallel_loop3A_151 = arith.constant 16384 : i32
    %parallel_loop3A_152 = arith.constant 16 : i32
    scf.for %parallel_loop3A_264 = %parallel_loop3A to %parallel_loop3A_151 step %parallel_loop3A_152  : i32 {
      %parallel_loop3A_265 = arith.index_cast %parallel_loop3A_264 : i32 to index
      %parallel_loop3A_266 = tpu.vector_load %arg6[%parallel_loop3A_265] {strides = array<i32>} : memref<32768xi32, #tpu.memory_space<vmem>>, vector<16xi32>,
      %parallel_loop3A_267 = tpu.vector_load_idx %arg5[%parallel_loop3A_266] : memref<512xf32, #tpu.memory_space<vmem>>[vector<16xi32>], vector<16xf32>,
      %parallel_loop3A_268 = arith.subf %parallel_loop3A_267, %add3A_131 : vector<16xf32>
      %parallel_loop3A_269 = arith.index_cast %parallel_loop3A_264 : i32 to index
      %parallel_loop3A_270 = tpu.vector_load %arg7[%parallel_loop3A_269] {strides = array<i32>} : memref<32768xf32, #tpu.memory_space<vmem>>, vector<16xf32>,
      tpu.vector_store %arg7[%parallel_loop3A_269], %parallel_loop3A_268 {strides = array<i32>} : memref<32768xf32, #tpu.memory_space<vmem>>, vector<16xf32>,
    } {sc.loop_unroll_factor = 16 : i64, sc.parallel_access}
    %add3A_153 = arith.constant 0 : i32
    %add3A_154 = arith.addi %mul3A_2, %add3A_153 : i32
    %dma_start3A_155 = arith.constant 0 : i32
    %dma_start3A_156 = tpu.memref_slice %arg7[%dma_start3A_155] : memref<32768xf32, #tpu.memory_space<vmem>> -> memref<8192xf32, #tpu.memory_space<vmem>>
    %dma_start3A_157 = arith.constant 0 : i32
    %dma_start3A_158 = tpu.memref_slice %arg4[%add3A_154, %dma_start3A_157] : memref<128x8192xf32, #tpu.memory_space<hbm>> -> memref<1x8192xf32, #tpu.memory_space<hbm>>
    %dma_start3A_159 = tpu.memref_squeeze %dma_start3A_158 : memref<1x8192xf32, #tpu.memory_space<hbm>> -> memref<8192xf32, #tpu.memory_space<hbm>>
    %dma_start3A_160 = arith.constant 0 : i32
    %dma_start3A_161 = tpu.memref_slice %arg4[%add3A_154, %dma_start3A_160] : memref<128x8192xf32, #tpu.memory_space<hbm>> -> memref<1x8192xf32, #tpu.memory_space<hbm>>
    %dma_start3A_162 = tpu.memref_squeeze %dma_start3A_161 : memref<1x8192xf32, #tpu.memory_space<hbm>> -> memref<8192xf32, #tpu.memory_space<hbm>>
    %dma_start3A_163 = arith.constant 0 : i32
    %dma_start3A_164 = tpu.memref_slice %arg7[%dma_start3A_163] : memref<32768xf32, #tpu.memory_space<vmem>> -> memref<8192xf32, #tpu.memory_space<vmem>>
    tpu.enqueue_dma source(%dma_start3A_164 : memref<8192xf32, #tpu.memory_space<vmem>>) target(%dma_start3A_162 : memref<8192xf32, #tpu.memory_space<hbm>>) target_semaphore(%arg12 : memref<!tpu.dma_semaphore, #tpu.memory_space<semaphore_mem>>)
    %add3A_165 = arith.constant 1 : i32
    %add3A_166 = arith.addi %mul3A_2, %add3A_165 : i32
    %dma_start3A_167 = arith.constant 8192 : i32
    %dma_start3A_168 = tpu.memref_slice %arg7[%dma_start3A_167] : memref<32768xf32, #tpu.memory_space<vmem>> -> memref<8192xf32, #tpu.memory_space<vmem>>
    %dma_start3A_169 = arith.constant 0 : i32
    %dma_start3A_170 = tpu.memref_slice %arg4[%add3A_166, %dma_start3A_169] : memref<128x8192xf32, #tpu.memory_space<hbm>> -> memref<1x8192xf32, #tpu.memory_space<hbm>>
    %dma_start3A_171 = tpu.memref_squeeze %dma_start3A_170 : memref<1x8192xf32, #tpu.memory_space<hbm>> -> memref<8192xf32, #tpu.memory_space<hbm>>
    %dma_start3A_172 = arith.constant 0 : i32
    %dma_start3A_173 = tpu.memref_slice %arg4[%add3A_166, %dma_start3A_172] : memref<128x8192xf32, #tpu.memory_space<hbm>> -> memref<1x8192xf32, #tpu.memory_space<hbm>>
    %dma_start3A_174 = tpu.memref_squeeze %dma_start3A_173 : memref<1x8192xf32, #tpu.memory_space<hbm>> -> memref<8192xf32, #tpu.memory_space<hbm>>
    %dma_start3A_175 = arith.constant 8192 : i32
    %dma_start3A_176 = tpu.memref_slice %arg7[%dma_start3A_175] : memref<32768xf32, #tpu.memory_space<vmem>> -> memref<8192xf32, #tpu.memory_space<vmem>>
    tpu.enqueue_dma source(%dma_start3A_176 : memref<8192xf32, #tpu.memory_space<vmem>>) target(%dma_start3A_174 : memref<8192xf32, #tpu.memory_space<hbm>>) target_semaphore(%arg13 : memref<!tpu.dma_semaphore, #tpu.memory_space<semaphore_mem>>)
    %dma_wait3A_177 = arith.constant 16384 : i32
    %dma_wait3A_178 = tpu.memref_slice %arg6[%dma_wait3A_177] : memref<32768xi32, #tpu.memory_space<vmem>> -> memref<8192xi32, #tpu.memory_space<vmem>>
    %dma_wait3A_179 = arith.constant 0 : i32
    %dma_wait3A_180 = tpu.memref_slice %arg3[%add3A_27, %dma_wait3A_179] : memref<128x8192xi32, #tpu.memory_space<hbm>> -> memref<1x8192xi32, #tpu.memory_space<hbm>>
    %dma_wait3A_181 = tpu.memref_squeeze %dma_wait3A_180 : memref<1x8192xi32, #tpu.memory_space<hbm>> -> memref<8192xi32, #tpu.memory_space<hbm>>
    %dma_wait3A_182 = arith.constant 16384 : i32
    %dma_wait3A_183 = tpu.memref_slice %arg6[%dma_wait3A_182] : memref<32768xi32, #tpu.memory_space<vmem>> -> memref<8192xi32, #tpu.memory_space<vmem>>
    %dma_wait3A_184 = arith.constant 0 : i32
    %dma_wait3A_185 = tpu.memref_slice %arg3[%add3A_27, %dma_wait3A_184] : memref<128x8192xi32, #tpu.memory_space<hbm>> -> memref<1x8192xi32, #tpu.memory_space<hbm>>
    %dma_wait3A_186 = tpu.memref_squeeze %dma_wait3A_185 : memref<1x8192xi32, #tpu.memory_space<hbm>> -> memref<8192xi32, #tpu.memory_space<hbm>>
    tpu.wait_dma2 semaphore(%arg10 : memref<!tpu.dma_semaphore, #tpu.memory_space<semaphore_mem>>) src(%dma_wait3A_186 : memref<8192xi32, #tpu.memory_space<hbm>>) dst(%dma_wait3A_183 : memref<8192xi32, #tpu.memory_space<vmem>>)
    %dma_wait3A_187 = arith.constant 24576 : i32
    %dma_wait3A_188 = tpu.memref_slice %arg6[%dma_wait3A_187] : memref<32768xi32, #tpu.memory_space<vmem>> -> memref<8192xi32, #tpu.memory_space<vmem>>
    %dma_wait3A_189 = arith.constant 0 : i32
    %dma_wait3A_190 = tpu.memref_slice %arg3[%add3A_39, %dma_wait3A_189] : memref<128x8192xi32, #tpu.memory_space<hbm>> -> memref<1x8192xi32, #tpu.memory_space<hbm>>
    %dma_wait3A_191 = tpu.memref_squeeze %dma_wait3A_190 : memref<1x8192xi32, #tpu.memory_space<hbm>> -> memref<8192xi32, #tpu.memory_space<hbm>>
    %dma_wait3A_192 = arith.constant 24576 : i32
    %dma_wait3A_193 = tpu.memref_slice %arg6[%dma_wait3A_192] : memref<32768xi32, #tpu.memory_space<vmem>> -> memref<8192xi32, #tpu.memory_space<vmem>>
    %dma_wait3A_194 = arith.constant 0 : i32
    %dma_wait3A_195 = tpu.memref_slice %arg3[%add3A_39, %dma_wait3A_194] : memref<128x8192xi32, #tpu.memory_space<hbm>> -> memref<1x8192xi32, #tpu.memory_space<hbm>>
    %dma_wait3A_196 = tpu.memref_squeeze %dma_wait3A_195 : memref<1x8192xi32, #tpu.memory_space<hbm>> -> memref<8192xi32, #tpu.memory_space<hbm>>
    tpu.wait_dma2 semaphore(%arg11 : memref<!tpu.dma_semaphore, #tpu.memory_space<semaphore_mem>>) src(%dma_wait3A_196 : memref<8192xi32, #tpu.memory_space<hbm>>) dst(%dma_wait3A_193 : memref<8192xi32, #tpu.memory_space<vmem>>)
    %parallel_loop3A_197 = arith.constant 16384 : i32
    %parallel_loop3A_198 = arith.constant 32768 : i32
    %parallel_loop3A_199 = arith.constant 16 : i32
    scf.for %parallel_loop3A_264 = %parallel_loop3A_197 to %parallel_loop3A_198 step %parallel_loop3A_199  : i32 {
      %parallel_loop3A_265 = arith.index_cast %parallel_loop3A_264 : i32 to index
      %parallel_loop3A_266 = tpu.vector_load %arg6[%parallel_loop3A_265] {strides = array<i32>} : memref<32768xi32, #tpu.memory_space<vmem>>, vector<16xi32>,
      %parallel_loop3A_267 = tpu.vector_load_idx %arg5[%parallel_loop3A_266] : memref<512xf32, #tpu.memory_space<vmem>>[vector<16xi32>], vector<16xf32>,
      %parallel_loop3A_268 = arith.subf %parallel_loop3A_267, %add3A_131 : vector<16xf32>
      %parallel_loop3A_269 = arith.index_cast %parallel_loop3A_264 : i32 to index
      %parallel_loop3A_270 = tpu.vector_load %arg7[%parallel_loop3A_269] {strides = array<i32>} : memref<32768xf32, #tpu.memory_space<vmem>>, vector<16xf32>,
      tpu.vector_store %arg7[%parallel_loop3A_269], %parallel_loop3A_268 {strides = array<i32>} : memref<32768xf32, #tpu.memory_space<vmem>>, vector<16xf32>,
    } {sc.loop_unroll_factor = 16 : i64, sc.parallel_access}
    %add3A_200 = arith.constant 2 : i32
    %add3A_201 = arith.addi %mul3A_2, %add3A_200 : i32
    %dma_start3A_202 = arith.constant 16384 : i32
    %dma_start3A_203 = tpu.memref_slice %arg7[%dma_start3A_202] : memref<32768xf32, #tpu.memory_space<vmem>> -> memref<8192xf32, #tpu.memory_space<vmem>>
    %dma_start3A_204 = arith.constant 0 : i32
    %dma_start3A_205 = tpu.memref_slice %arg4[%add3A_201, %dma_start3A_204] : memref<128x8192xf32, #tpu.memory_space<hbm>> -> memref<1x8192xf32, #tpu.memory_space<hbm>>
    %dma_start3A_206 = tpu.memref_squeeze %dma_start3A_205 : memref<1x8192xf32, #tpu.memory_space<hbm>> -> memref<8192xf32, #tpu.memory_space<hbm>>
    %dma_start3A_207 = arith.constant 0 : i32
    %dma_start3A_208 = tpu.memref_slice %arg4[%add3A_201, %dma_start3A_207] : memref<128x8192xf32, #tpu.memory_space<hbm>> -> memref<1x8192xf32, #tpu.memory_space<hbm>>
    %dma_start3A_209 = tpu.memref_squeeze %dma_start3A_208 : memref<1x8192xf32, #tpu.memory_space<hbm>> -> memref<8192xf32, #tpu.memory_space<hbm>>
    %dma_start3A_210 = arith.constant 16384 : i32
    %dma_start3A_211 = tpu.memref_slice %arg7[%dma_start3A_210] : memref<32768xf32, #tpu.memory_space<vmem>> -> memref<8192xf32, #tpu.memory_space<vmem>>
    tpu.enqueue_dma source(%dma_start3A_211 : memref<8192xf32, #tpu.memory_space<vmem>>) target(%dma_start3A_209 : memref<8192xf32, #tpu.memory_space<hbm>>) target_semaphore(%arg14 : memref<!tpu.dma_semaphore, #tpu.memory_space<semaphore_mem>>)
    %add3A_212 = arith.constant 3 : i32
    %add3A_213 = arith.addi %mul3A_2, %add3A_212 : i32
    %dma_start3A_214 = arith.constant 24576 : i32
    %dma_start3A_215 = tpu.memref_slice %arg7[%dma_start3A_214] : memref<32768xf32, #tpu.memory_space<vmem>> -> memref<8192xf32, #tpu.memory_space<vmem>>
    %dma_start3A_216 = arith.constant 0 : i32
    %dma_start3A_217 = tpu.memref_slice %arg4[%add3A_213, %dma_start3A_216] : memref<128x8192xf32, #tpu.memory_space<hbm>> -> memref<1x8192xf32, #tpu.memory_space<hbm>>
    %dma_start3A_218 = tpu.memref_squeeze %dma_start3A_217 : memref<1x8192xf32, #tpu.memory_space<hbm>> -> memref<8192xf32, #tpu.memory_space<hbm>>
    %dma_start3A_219 = arith.constant 0 : i32
    %dma_start3A_220 = tpu.memref_slice %arg4[%add3A_213, %dma_start3A_219] : memref<128x8192xf32, #tpu.memory_space<hbm>> -> memref<1x8192xf32, #tpu.memory_space<hbm>>
    %dma_start3A_221 = tpu.memref_squeeze %dma_start3A_220 : memref<1x8192xf32, #tpu.memory_space<hbm>> -> memref<8192xf32, #tpu.memory_space<hbm>>
    %dma_start3A_222 = arith.constant 24576 : i32
    %dma_start3A_223 = tpu.memref_slice %arg7[%dma_start3A_222] : memref<32768xf32, #tpu.memory_space<vmem>> -> memref<8192xf32, #tpu.memory_space<vmem>>
    tpu.enqueue_dma source(%dma_start3A_223 : memref<8192xf32, #tpu.memory_space<vmem>>) target(%dma_start3A_221 : memref<8192xf32, #tpu.memory_space<hbm>>) target_semaphore(%arg15 : memref<!tpu.dma_semaphore, #tpu.memory_space<semaphore_mem>>)
    %dma_wait3A_224 = arith.constant 0 : i32
    %dma_wait3A_225 = tpu.memref_slice %arg7[%dma_wait3A_224] : memref<32768xf32, #tpu.memory_space<vmem>> -> memref<8192xf32, #tpu.memory_space<vmem>>
    %dma_wait3A_226 = arith.constant 0 : i32
    %dma_wait3A_227 = tpu.memref_slice %arg4[%add3A_154, %dma_wait3A_226] : memref<128x8192xf32, #tpu.memory_space<hbm>> -> memref<1x8192xf32, #tpu.memory_space<hbm>>
    %dma_wait3A_228 = tpu.memref_squeeze %dma_wait3A_227 : memref<1x8192xf32, #tpu.memory_space<hbm>> -> memref<8192xf32, #tpu.memory_space<hbm>>
    %dma_wait3A_229 = arith.constant 0 : i32
    %dma_wait3A_230 = tpu.memref_slice %arg4[%add3A_154, %dma_wait3A_229] : memref<128x8192xf32, #tpu.memory_space<hbm>> -> memref<1x8192xf32, #tpu.memory_space<hbm>>
    %dma_wait3A_231 = tpu.memref_squeeze %dma_wait3A_230 : memref<1x8192xf32, #tpu.memory_space<hbm>> -> memref<8192xf32, #tpu.memory_space<hbm>>
    %dma_wait3A_232 = arith.constant 0 : i32
    %dma_wait3A_233 = tpu.memref_slice %arg7[%dma_wait3A_232] : memref<32768xf32, #tpu.memory_space<vmem>> -> memref<8192xf32, #tpu.memory_space<vmem>>
    tpu.wait_dma2 semaphore(%arg12 : memref<!tpu.dma_semaphore, #tpu.memory_space<semaphore_mem>>) src(%dma_wait3A_233 : memref<8192xf32, #tpu.memory_space<vmem>>) dst(%dma_wait3A_231 : memref<8192xf32, #tpu.memory_space<hbm>>)
    %dma_wait3A_234 = arith.constant 8192 : i32
    %dma_wait3A_235 = tpu.memref_slice %arg7[%dma_wait3A_234] : memref<32768xf32, #tpu.memory_space<vmem>> -> memref<8192xf32, #tpu.memory_space<vmem>>
    %dma_wait3A_236 = arith.constant 0 : i32
    %dma_wait3A_237 = tpu.memref_slice %arg4[%add3A_166, %dma_wait3A_236] : memref<128x8192xf32, #tpu.memory_space<hbm>> -> memref<1x8192xf32, #tpu.memory_space<hbm>>
    %dma_wait3A_238 = tpu.memref_squeeze %dma_wait3A_237 : memref<1x8192xf32, #tpu.memory_space<hbm>> -> memref<8192xf32, #tpu.memory_space<hbm>>
    %dma_wait3A_239 = arith.constant 0 : i32
    %dma_wait3A_240 = tpu.memref_slice %arg4[%add3A_166, %dma_wait3A_239] : memref<128x8192xf32, #tpu.memory_space<hbm>> -> memref<1x8192xf32, #tpu.memory_space<hbm>>
    %dma_wait3A_241 = tpu.memref_squeeze %dma_wait3A_240 : memref<1x8192xf32, #tpu.memory_space<hbm>> -> memref<8192xf32, #tpu.memory_space<hbm>>
    %dma_wait3A_242 = arith.constant 8192 : i32
    %dma_wait3A_243 = tpu.memref_slice %arg7[%dma_wait3A_242] : memref<32768xf32, #tpu.memory_space<vmem>> -> memref<8192xf32, #tpu.memory_space<vmem>>
    tpu.wait_dma2 semaphore(%arg13 : memref<!tpu.dma_semaphore, #tpu.memory_space<semaphore_mem>>) src(%dma_wait3A_243 : memref<8192xf32, #tpu.memory_space<vmem>>) dst(%dma_wait3A_241 : memref<8192xf32, #tpu.memory_space<hbm>>)
    %dma_wait3A_244 = arith.constant 16384 : i32
    %dma_wait3A_245 = tpu.memref_slice %arg7[%dma_wait3A_244] : memref<32768xf32, #tpu.memory_space<vmem>> -> memref<8192xf32, #tpu.memory_space<vmem>>
    %dma_wait3A_246 = arith.constant 0 : i32
    %dma_wait3A_247 = tpu.memref_slice %arg4[%add3A_201, %dma_wait3A_246] : memref<128x8192xf32, #tpu.memory_space<hbm>> -> memref<1x8192xf32, #tpu.memory_space<hbm>>
    %dma_wait3A_248 = tpu.memref_squeeze %dma_wait3A_247 : memref<1x8192xf32, #tpu.memory_space<hbm>> -> memref<8192xf32, #tpu.memory_space<hbm>>
    %dma_wait3A_249 = arith.constant 0 : i32
    %dma_wait3A_250 = tpu.memref_slice %arg4[%add3A_201, %dma_wait3A_249] : memref<128x8192xf32, #tpu.memory_space<hbm>> -> memref<1x8192xf32, #tpu.memory_space<hbm>>
    %dma_wait3A_251 = tpu.memref_squeeze %dma_wait3A_250 : memref<1x8192xf32, #tpu.memory_space<hbm>> -> memref<8192xf32, #tpu.memory_space<hbm>>
    %dma_wait3A_252 = arith.constant 16384 : i32
    %dma_wait3A_253 = tpu.memref_slice %arg7[%dma_wait3A_252] : memref<32768xf32, #tpu.memory_space<vmem>> -> memref<8192xf32, #tpu.memory_space<vmem>>
    tpu.wait_dma2 semaphore(%arg14 : memref<!tpu.dma_semaphore, #tpu.memory_space<semaphore_mem>>) src(%dma_wait3A_253 : memref<8192xf32, #tpu.memory_space<vmem>>) dst(%dma_wait3A_251 : memref<8192xf32, #tpu.memory_space<hbm>>)
    %dma_wait3A_254 = arith.constant 24576 : i32
    %dma_wait3A_255 = tpu.memref_slice %arg7[%dma_wait3A_254] : memref<32768xf32, #tpu.memory_space<vmem>> -> memref<8192xf32, #tpu.memory_space<vmem>>
    %dma_wait3A_256 = arith.constant 0 : i32
    %dma_wait3A_257 = tpu.memref_slice %arg4[%add3A_213, %dma_wait3A_256] : memref<128x8192xf32, #tpu.memory_space<hbm>> -> memref<1x8192xf32, #tpu.memory_space<hbm>>
    %dma_wait3A_258 = tpu.memref_squeeze %dma_wait3A_257 : memref<1x8192xf32, #tpu.memory_space<hbm>> -> memref<8192xf32, #tpu.memory_space<hbm>>
    %dma_wait3A_259 = arith.constant 0 : i32
    %dma_wait3A_260 = tpu.memref_slice %arg4[%add3A_213, %dma_wait3A_259] : memref<128x8192xf32, #tpu.memory_space<hbm>> -> memref<1x8192xf32, #tpu.memory_space<hbm>>
    %dma_wait3A_261 = tpu.memref_squeeze %dma_wait3A_260 : memref<1x8192xf32, #tpu.memory_space<hbm>> -> memref<8192xf32, #tpu.memory_space<hbm>>
    %dma_wait3A_262 = arith.constant 24576 : i32
    %dma_wait3A_263 = tpu.memref_slice %arg7[%dma_wait3A_262] : memref<32768xf32, #tpu.memory_space<vmem>> -> memref<8192xf32, #tpu.memory_space<vmem>>
    tpu.wait_dma2 semaphore(%arg15 : memref<!tpu.dma_semaphore, #tpu.memory_space<semaphore_mem>>) src(%dma_wait3A_263 : memref<8192xf32, #tpu.memory_space<vmem>>) dst(%dma_wait3A_261 : memref<8192xf32, #tpu.memory_space<hbm>>)
    return
  }
}

</mosaic_0001>

<sc_bundles>
// kernel: kernel.3.cloned.1.call-start
scs
__scs_entry_jumppad:
0x0: {  	(pc) =	sbr.rel $0x88, $3  }
0x1: {  	(tag) =	ssettag $0x0;
	lr =	simm.s32 $0x1  }
0x2: {  	[smem:$0x3F9F] =	sst lr;
	_ =	strace $0xD0000000  }
0x3: {  	_ = 	snop  }
0x4: {  	_ = 	snop  }
0x5: {  	_ = 	snop  }
0x6: {  	_ = 	snop  }
0x7: {  	_ = 	snop  }
__scs_overlays_trampoline_lowered:
0x8: {  	[smem:$0x3FAE] =	sst s0  }
0x9: {  	[smem:$0x3FAF] =	sst s1  }
0xa: {  	[smem:$0x3FB0] =	sst s2  }
0xb: {  	[smem:$0x3FB1] =	sst s3  }
0xc: {  	[smem:$0x3FB2] =	sst s4  }
0xd: {  	[smem:$0x3FB3] =	sst s5  }
0xe: {  	[smem:$0x3FB4] =	sst s6  }
0xf: {  	[smem:$0x3FB5] =	sst s7  }
0x10: {  	[smem:$0x3FB6] =	sst s8  }
0x11: {  	[smem:$0x3FB7] =	sst s9;
	s0 =	simm.s32 @!p0 $0x0  }
0x12: {  	s1 =	sld [smem:$0x3F9D];
	s0 =	simm.s32 @p0 $0x1  }
0x13: {  	[smem:$0x3FB8] =	sst s0;
	s0 =	simm.s32 @!p1 $0x0  }
0x14: {  	s2 =	sld [smem:$0x3F9C];
	s0 =	simm.s32 @p1 $0x1  }
0x15: {  	[smem:$0x3FB9] =	sst s0;
	s0 =	simm.s32 @!p2 $0x0  }
0x16: {  	s3 =	sld [smem:$0x3FDB];
	s0 =	simm.s32 @p2 $0x1  }
0x17: {  	s4 =	simm.s32 $0x1BF5;
	[smem:$0x3FBB] =	sst s0  }
0x18: {  	s0 =	sld [smem:$0x3F9E];
	_ =	swait.ge [sflag:s4], $0x0  }
0x19: {  	s7 =	sld [smem:$0x3F9F]  }
0x1a: {  	s8 =	sadd.s32 $0xFFFFE003, lr  }
0x1b: {  	s9 =	sadd.s32 $0xFFFFFEF7, lr;
	s5 =	simm.s32 $0xFFFFFFFF;
	p2 =	slt.u32 s8, $0xFFFFF086  }
0x1c: {  	p1 =	slt.u32 s9, $0xF7A;
	s5 =	simm.s32 @!p2 $0x0  }
0x1d: {  	s5 =	simm.s32 @p1 $0x1;
	p0 =	seq.s32 s7, s2  }
0x1e: {  	s7 =	smul.u32 @!p0 $0xF7A, s2;
	p2 =	seq.s32 @!p0 s5, $0x0  }
0x1f: {  	s9 =	smul.u32 $0xF7A, s1;
	s8 =	simm.s32 @!p0 $0x1BF5;
	p2 =	por !p2, p0  }
0x20: {  	[sflag:s8] =	ssyncset.s32 @!p0 $0xFFFFF086;
	s6 =	sadd.s32 @!p0 s3, s7;
	s7 =	simm.s32 @!p0 $0x108  }
0x21: {  	s3 =	sadd.s32 s3, s9;
	s6 =	sadd.s32 @!p0 $0x88, s6;
	s7 =	simm.s32 @p2 $0x1082  }
0x22: {  	[simem:s7], [sflag:s8] =	dma.local @!p0 [hbm:s6], $0xF7A  }
0x23: {  	s9 =	sor.u32 $0xD0000000, s2;
	s6 =	simm.s32 $0x108;
	_ =	swait.ge @!p0 [sflag:s8], $0x0  }
0x24: {  	s3 =	sadd.s32 $0x88, s3;
	s6 =	simm.s32 @!p1 $0x1082;
	[sflag:s4] =	ssyncset.s32 $0xFFFFF086  }
0x25: {  	[simem:s6], [sflag:s4] =	dma.local [hbm:s3], $0xF7A  }
0x26: {  	[smem:$0x3F9F] =	sst s1;
	(tag) =	ssettag s2;
	_ =	strace s9  }
0x27: {  	s1 =	sld [smem:$0x3FAF]  }
0x28: {  	s2 =	sld [smem:$0x3FB0]  }
0x29: {  	s4 =	sld [smem:$0x3FB2]  }
0x2a: {  	p0 =	seq.s32 s5, $0x0;
	s5 =	sld [smem:$0x3FB3]  }
0x2b: {  	s6 =	sld [smem:$0x3FB4]  }
0x2c: {  	s7 =	sld [smem:$0x3FB5]  }
0x2d: {  	s3 =	simm.s32 $0x108;
	s8 =	sld [smem:$0x3FB6]  }
0x2e: {  	s3 =	simm.s32 @!p0 $0x1082;
	s9 =	sld [smem:$0x3FB7]  }
0x2f: {  	lr =	sadd.s32 s0, s3;
	s0 =	sld [smem:$0x3FAE]  }
0x30: {  	s3 =	sld [smem:$0x3FB1]  }
0x31: {  	[smem:$0x3FBA] =	sst s10  }
0x32: {  	s10 =	sld [smem:$0x3FB8];
	_ =	sdelay $0x3  }
0x33: {  	p0 =	seq.s32 s10, $0x1;
	s10 =	sld [smem:$0x3FBA];
	_ =	sdelay $0x3  }
0x34: {  	[smem:$0x3FBA] =	sst s10  }
0x35: {  	s10 =	sld [smem:$0x3FB9];
	_ =	sdelay $0x3  }
0x36: {  	p1 =	seq.s32 s10, $0x1;
	s10 =	sld [smem:$0x3FBA];
	_ =	sdelay $0x3  }
0x37: {  	[smem:$0x3FBA] =	sst s10  }
0x38: {  	s10 =	sld [smem:$0x3FBB]  }
0x39: {  	_ = 	snop;
	(pc) =	sbr.ind lr, $3  }
0x3a: {  	_ = 	snop  }
0x3b: {  	_ = 	snop  }
0x3c: {  	p2 =	seq.s32 s10, $0x1;
	s10 =	sld [smem:$0x3FBA]  }
0x3d: {  	_ =	shalt  }
0x3e: {  	_ =	shalt  }
0x3f: {  	_ =	shalt  }
0x40: {  	_ =	shalt  }
0x41: {  	_ =	shalt  }
0x42: {  	_ =	shalt  }
0x43: {  	_ =	shalt  }
0x44: {  	_ =	shalt  }
0x45: {  	_ =	shalt  }
0x46: {  	_ =	shalt  }
0x47: {  	_ =	shalt  }
0x48: {  	_ =	shalt  }
0x49: {  	_ =	shalt  }
0x4a: {  	_ =	shalt  }
0x4b: {  	_ =	shalt  }
0x4c: {  	_ =	shalt  }
0x4d: {  	_ =	shalt  }
0x4e: {  	_ =	shalt  }
0x4f: {  	_ =	shalt  }
0x50: {  	_ =	shalt  }
0x51: {  	_ =	shalt  }
0x52: {  	_ =	shalt  }
0x53: {  	_ =	shalt  }
0x54: {  	_ =	shalt  }
0x55: {  	_ =	shalt  }
0x56: {  	_ =	shalt  }
0x57: {  	_ =	shalt  }
0x58: {  	_ =	shalt  }
0x59: {  	_ =	shalt  }
0x5a: {  	_ =	shalt  }
0x5b: {  	_ =	shalt  }
0x5c: {  	_ =	shalt  }
0x5d: {  	_ =	shalt  }
0x5e: {  	_ =	shalt  }
0x5f: {  	_ =	shalt  }
0x60: {  	_ =	shalt  }
0x61: {  	_ =	shalt  }
0x62: {  	_ =	shalt  }
0x63: {  	_ =	shalt  }
0x64: {  	_ =	shalt  }
0x65: {  	_ =	shalt  }
0x66: {  	_ =	shalt  }
0x67: {  	_ =	shalt  }
0x68: {  	_ =	shalt  }
0x69: {  	_ =	shalt  }
0x6a: {  	_ =	shalt  }
0x6b: {  	_ =	shalt  }
0x6c: {  	_ =	shalt  }
0x6d: {  	_ =	shalt  }
0x6e: {  	_ =	shalt  }
0x6f: {  	_ =	shalt  }
0x70: {  	_ =	shalt  }
0x71: {  	_ =	shalt  }
0x72: {  	_ =	shalt  }
0x73: {  	_ =	shalt  }
0x74: {  	_ =	shalt  }
0x75: {  	_ =	shalt  }
0x76: {  	_ =	shalt  }
0x77: {  	_ =	shalt  }
0x78: {  	_ =	shalt  }
0x79: {  	_ =	shalt  }
0x7a: {  	_ =	shalt  }
0x7b: {  	_ =	shalt  }
0x7c: {  	_ =	shalt  }
0x7d: {  	_ =	shalt  }
0x7e: {  	_ =	shalt  }
0x7f: {  	_ =	shalt  }
0x80: {  	_ =	shalt  }
0x81: {  	_ =	shalt  }
0x82: {  	_ =	shalt  }
0x83: {  	_ =	shalt  }
0x84: {  	_ =	shalt  }
0x85: {  	_ =	shalt  }
0x86: {  	_ =	shalt  }
0x87: {  	_ =	shalt  }
.Lfunc_end0:
.L_simem_size_0:
called_computation_lowered:
.L_overlay_start_0:
0x88: {  	s2 =	sld [smem:$0x3FD9]  }
0x89: {  	s3 =	sld [smem:$0x3FFE];
	_ =	sdelay $0x1  }
0x8a: {  	s1 =	srdreg.scid  }
0x8b: {  	s0 =	sand.u32 $0x1, s1  }
0x8c: {  	s18 =	sshll.u32 s0, $0xA;
	s2 =	sadd.s32 s3, s2  }
0x8d: {  	s2 =	sadd.s32 s2, s18  }
0x8e: {  	[smem:$0x3FC6] =	sst s2  }
0x8f: {  	_ = 	snop  }
0x90: {  	s2 =	sld [smem:$0x3FC9]  }
0x91: {  	s19 =	sld [smem:$0x3FC8]  }
0x92: {  	s4 =	sld [smem:$0x3FD0];
	(tm) =	ssettm $0x1  }
0x93: {  	s5 =	sld [smem:$0x3FFB];
	_ =	sdelay $0x3  }
0x94: {  	_ =	strace s5  }
0x95: {  	s5 =	sld [smem:$0x3FFC];
	_ =	sdelay $0x3  }
0x96: {  	_ =	strace s5  }
0x97: {  	s5 =	sld [smem:$0x3FFD];
	_ =	sdelay $0x3  }
0x98: {  	_ =	strace s5  }
0x99: {  	_ =	strace $0x8FFFFFFF  }
0x9a: {  	s20 =	sld [smem:$0x3FDB];
	_ =	sdelay $0x1  }
0x9b: {  	s6 =	simm.s32 $_scs_section_size  }
0x9c: {  	s7 =	simm.s32 $_size__tile_overlayer_lowered;
	s8 =	simm.s32 $_tile_overlayer_lowered  }
0x9d: {  	s23 =	simm.s32 $0x1BFF;
	s22 =	sshll.u32 s8, $0x1;
	s5 =	sadd.s32 s6, s20  }
0x9e: {  	s9 =	simm.s32 $0x0;
	s21 =	sshll.u32 s7, $0x1;
	s7 =	sadd.s32 s22, s5  }
0x9f: {  	[timem:s9], [sflag:s23] =	dma.local [hbm:s7], s21  }
0xa0: {  	_ =	swait.ge [sflag:s23], s21  }
0xa1: {  	s6 =	ssub.s32 $0x0, s21;
	[sflag:s23] =	ssyncset.done $0x0  }
0xa2: {  	[sflag:s23] =	ssyncadd.s32 s6;
	_ =	sdelay $0x1  }
0xa3: {  	s24 =	simm.s32 $0x1B8B  }
0xa4: {  	_ =	swait.ge [sflag:s24], $0x1  }
0xa5: {  	[sflag:s24] =	ssyncset.done $0x0  }
0xa6: {  	s25 =	simm.s32 $0x1B8E;
	[sflag:s24] =	ssyncadd.s32 $0xFFFFFFFF  }
0xa7: {  	s26 =	simm.s32 $execute0_lowered;
	[smem:$0x3FD2] =	sst s25  }
0xa8: {  	s6 =	sshll.u32 s26, $0x1;
	_ =	strace $0x80000046;
	[dreg:$0x1] =	wrdreg $0xFFFFFFFF  }
0xa9: {  	s28 =	simm.s32 $_size_execute0_lowered;
	s5 =	sadd.s32 s5, s6;
	[dreg:$0x0] =	wrdreg $0x0  }
0xaa: {  	s6 =	sshll.u32 s28, $0x1;
	[dreg:$0x2] =	wrdreg s5  }
0xab: {  	[dreg:$0x3] =	wrdreg s6  }
0xac: {  	[dreg:$0x4] =	wrdreg $0xC0  }
0xad: {  	_ =	task [dreg:s9], $0x5FFFF  }
0xae: {  	[dreg:$0x1] =	wrdreg $0xFFFFFFFF  }
0xaf: {  	[dreg:$0x0] =	wrdreg $0x60  }
0xb0: {  	[dreg:$0x2] =	wrdreg s2  }
0xb1: {  	[dreg:$0x3] =	wrdreg s19  }
0xb2: {  	[dreg:$0x4] =	wrdreg s4  }
0xb3: {  	[dreg:$0x5] =	wrdreg $0x9  }
0xb4: {  	_ =	task.clear_ibuf [dreg:s9], $0x6FFFF;
	_ =	strace $0x90000046  }
0xb5: {  	s29 =	simm.s32 $0x9;
	_ =	strace $0x80000048  }
0xb6: {  	_ =	swait.ge [sflag:s29], $0x1  }
0xb7: {  	[sflag:s29] =	ssyncadd.s32 $0xFFFFFFFF  }
0xb8: {  	_ =	strace $0x90000048  }
0xb9: {  	_ =	sfence  }
0xba: {  	s30 =	sld [smem:$0x0];
	_ =	sdelay $0x2  }
0xbb: {  	s31 =	sshll.u32 s1, $0xD;
	s1 =	sshrl.u32 s1, $0x2  }
0xbc: {  	s3 =	sand.u32 $0x4000, s31;
	s1 =	sadd.s32 s1, s30  }
0xbd: {  	s0 =	sor.u32 s3, s0;
	s1 =	sshll.u32 s1, $0x11  }
0xbe: {  	s0 =	sor.u32 s1, s0  }
0xbf: {  	s0 =	sadd.s32 $0x8F2B, s0  }
0xc0: {  	[sflag:s0] =	ssyncadd.remote.s32 $0x1  }
0xc1: {  	_ =	sfence.sel $0xFFFF  }
0xc2: {  	[dreg:$0x0] =	wrdreg $0xFFFFFFFF;
	(pc) =	sbr.abs _section_cstart, $3  }
0xc3: {  	[dreg:$0x1] =	wrdreg $0xFFFFFFFF  }
0xc4: {  	_ =	task.clear_ibuf [dreg:s9], $0x2FFFF;
	_ =	strace $0x9FFFFFFF  }
0xc5: {  	(tm) =	ssettm $0x7FFFFFFF  }
tec
execute0_lowered:
.L_overlay_start_1:
0x0: {  	(tag) =	ssettag $0x1  }
0x1: {  	s0 =	rddreg [dreg:$0x1]  }
0x2: {  	s1 =	rddreg [dreg:$0x2];
	s3 =	simm.s32 $0x0;
	s2 =	srdreg.scid  }
0x3: {  	s5 =	stileid.u32;
	s13 =	simm.s32 $0x80;
	s14 =	simm.s32 $0x400  }
0x4: {  	s18 =	simm.s32 $0x6200;
	s19 =	simm.s32 $0x9;
	s20 =	simm.s32 $0x1  }
0x5: {  	s21 =	simm.s32 $0x2;
	s22 =	simm.s32 $0x8200;
	s23 =	simm.s32 $0xA200  }
0x6: {  	s24 =	simm.s32 $0x3;
	s25 =	simm.s32 $0x4;
	s26 =	simm.s32 $0xC200  }
0x7: {  	s28 =	simm.s32 $0xE200;
	s29 =	simm.s32 $0x5;
	s30 =	simm.s32 $0x6  }
0x8: {  	s31 =	simm.s32 $0x7;
	[smem:$0x7FF] =	sst s3;
	s2 =	sand.u32 $0x1, s2  }
0x9: {  	s5 =	sshll.u32 s5, $0xD;
	s4 =	ssub.s32 $0x2, s2;
	s2 =	sshll.u32 s2, $0x6  }
0xa: {  	_ =	strace $0x80000047;
	s6 =	sshrl.u32 s4, $0x1;
	s2 =	sor.u32 s2, s5  }
0xb: {  	s12 =	ssub.s32 s4, s6;
	s4 =	sadd.s32 s0, s2;
	s9 =	sor.u32 $0x10, s2  }
0xc: {  	s10 =	sor.u32 $0x20, s2;
	s11 =	sor.u32 $0x30, s2;
	s8 =	sadd.s32 s1, s2  }
0xd: {  	s2 =	simm.s32 $0x0;
	s5 =	sadd.s32 s0, s9;
	s6 =	sadd.s32 s0, s10  }
0xe: {  	s7 =	sadd.s32 s0, s11;
	s9 =	sadd.s32 s1, s9;
	s10 =	sadd.s32 s1, s10  }
0xf: {  	s11 =	sadd.s32 s1, s11;
	s12 =	smax.u32 s12, $0x1;
	s0 =	simm.s32 $0x8  }
.LBB2_1:
0x10: {  	s1 =	simm.s32 $0x200  }
0x11: {  	[tilespmem:s1], [sflag:$0x1] =	stream.strided.gather [hbm4b:s4+s13], $0x2000, s14, s13, $0x38;
	[tilespmem:$0x10200] =	vst v63  }
0x12: {  	s16 =	simm.s32 $0x2200  }
0x13: {  	[tilespmem:s16], [sflag:$0x2] =	stream.strided.gather [hbm4b:s5+s13], $0x2000, s14, s13, $0x38;
	[tilespmem:$0x10200] =	vst v63  }
0x14: {  	s17 =	simm.s32 $0x4200  }
0x15: {  	[tilespmem:s17], [sflag:$0x3] =	stream.strided.gather [hbm4b:s6+s13], $0x2000, s14, s13, $0x38;
	[tilespmem:$0x10200] =	vst v63  }
0x16: {  	_ = 	snop  }
0x17: {  	[tilespmem:s18], [sflag:$0x4] =	stream.strided.gather [hbm4b:s7+s13], $0x2000, s14, s13, $0x38;
	[tilespmem:$0x10200] =	vst v63  }
0x18: {  	s15 =	rddreg [dreg:$0x0]  }
0x19: {  	[tilespmem:s3], [sflag:$0x9] =	stream.linear.gather [hbm4b:s15+s3], $0x200, $0x38;
	[tilespmem:$0x10200] =	vst v63  }
0x1a: {  	_ =	swait.ge [sflag:s19], $0x200  }
0x1b: {  	[sflag:s19] =	ssyncset.done $0x0  }
0x1c: {  	[sflag:s19] =	ssyncadd.s32 $0xFFFFFE00  }
0x1d: {  	v0 =	vld [tilespmem:$0x0]  }
0x1e: {  	v1 =	vld [tilespmem:$0x10]  }
0x1f: {  	v2 =	vld [tilespmem:$0x20]  }
0x20: {  	v3 =	vld [tilespmem:$0x30]  }
0x21: {  	v4 =	vld [tilespmem:$0x40]  }
0x22: {  	v5 =	vld [tilespmem:$0x50]  }
0x23: {  	v0 =	vmax.f32 v0, v1;
	v1 =	vld [tilespmem:$0x60]  }
0x24: {  	v0 =	vmax.f32 v0, v2;
	v2 =	vld [tilespmem:$0x70]  }
0x25: {  	v0 =	vmax.f32 v0, v3;
	v3 =	vld [tilespmem:$0x80]  }
0x26: {  	v54 =	vld [tilespmem:$0x90];
	v0 =	vmax.f32 v0, v4  }
0x27: {  	v55 =	vld [tilespmem:$0xA0];
	v0 =	vmax.f32 v0, v5  }
0x28: {  	v0 =	vmax.f32 v0, v1;
	v1 =	vld [tilespmem:$0xB0]  }
0x29: {  	v0 =	vmax.f32 v0, v2;
	v2 =	vld [tilespmem:$0xC0]  }
0x2a: {  	v0 =	vmax.f32 v0, v3;
	v3 =	vld [tilespmem:$0xD0]  }
0x2b: {  	v56 =	vld [tilespmem:$0xE0];
	v0 =	vmax.f32 v0, v54  }
0x2c: {  	v57 =	vld [tilespmem:$0xF0];
	v0 =	vmax.f32 v0, v55  }
0x2d: {  	v0 =	vmax.f32 v0, v1;
	v1 =	vld [tilespmem:$0x100]  }
0x2e: {  	v0 =	vmax.f32 v0, v2;
	v2 =	vld [tilespmem:$0x110]  }
0x2f: {  	v0 =	vmax.f32 v0, v3;
	v3 =	vld [tilespmem:$0x120]  }
0x30: {  	v58 =	vld [tilespmem:$0x130];
	v0 =	vmax.f32 v0, v56  }
0x31: {  	v59 =	vld [tilespmem:$0x140];
	v0 =	vmax.f32 v0, v57  }
0x32: {  	v0 =	vmax.f32 v0, v1;
	v1 =	vld [tilespmem:$0x150]  }
0x33: {  	v0 =	vmax.f32 v0, v2;
	v2 =	vld [tilespmem:$0x160]  }
0x34: {  	v0 =	vmax.f32 v0, v3;
	v3 =	vld [tilespmem:$0x170]  }
0x35: {  	v60 =	vld [tilespmem:$0x180];
	v0 =	vmax.f32 v0, v58  }
0x36: {  	v61 =	vld [tilespmem:$0x190];
	v0 =	vmax.f32 v0, v59  }
0x37: {  	v0 =	vmax.f32 v0, v1;
	v1 =	vld [tilespmem:$0x1A0]  }
0x38: {  	v0 =	vmax.f32 v0, v2;
	v2 =	vld [tilespmem:$0x1B0]  }
0x39: {  	v0 =	vmax.f32 v0, v3;
	v3 =	vld [tilespmem:$0x1C0]  }
0x3a: {  	v62 =	vld [tilespmem:$0x1D0];
	v0 =	vmax.f32 v0, v60  }
0x3b: {  	v63 =	vld [tilespmem:$0x1E0];
	v0 =	vmax.f32 v0, v61  }
0x3c: {  	v0 =	vmax.f32 v0, v1;
	v1 =	vld [tilespmem:$0x1F0]  }
0x3d: {  	v0 =	vmax.f32 v0, v2  }
0x3e: {  	v0 =	vmax.f32 v0, v3  }
0x3f: {  	v0 =	vmax.f32 v0, v62  }
0x40: {  	v0 =	vmax.f32 v0, v63  }
0x41: {  	v0 =	vmax.f32 v0, v1  }
0x42: {  	(xrf0) =	vmax.scan.msk.f32 $0xffff, v0;
	_ =	sdelay $0x4  }
0x43: {  	s16 =	simm.s32 $0x0  }
0x44: {  	v1 =	vld [tilespmem:s16+$0x0];
	v0, _, _ =	vpop (xrf0)  }
0x45: {  	v0 =	vadd.f32 $0.0e+00, v0  }
0x46: {  	s17 =	simm.s32 $0x10  }
0x47: {  	v2 =	vld [tilespmem:s17+$0x0];
	v0 =	vbroadcast v0, $0xF;
	_ =	sdelay $0x1  }
0x48: {  	v1 =	vsub.f32 v1, v0;
	_ =	sdelay $0x1  }
0x49: {  	v1 =	vmul.f32 $1.442695020e+00, v1  }
0x4a: {  	v2 =	vsub.f32 v2, v0  }
0x4b: {  	(erf) = vpow2.f32 v1  }
0x4c: {  	v3 =	vmul.f32 $1.442695020e+00, v2  }
0x4d: {  	s15 =	simm.s32 $0x20  }
0x4e: {  	v2 =	vld [tilespmem:s15+$0x0];
	(erf) = vpow2.f32 v3;
	_ =	sdelay $0x2  }
0x4f: {  	s1 =	simm.s32 $0xC0;
	v1 =	vimm.f32 $0.0e+00  }
.LBB2_2:
0x50: {  	p0 =	sne.s32 s1, $0x7C0  }
.Ltmp0:
0x51: {  	s15 =	sshra.s32 s1, $0x2;
	s1 =	sadd.s32 $0x40, s1;
	v3 =	vsub.f32 v2, v0;
	(pc) =	sbr.rel @p0 .LBB2_2-.Ltmp0, $3  }
0x52: {  	v2 =	vld [tilespmem:s15+$0x0];
	v4 =	vpop (erf)  }
0x53: {  	v3 =	vmul.f32 $1.442695020e+00, v3;
	v1 =	vadd.f32 v4, v1;
	_ =	sdelay $0x1  }
0x54: {  	(erf) = vpow2.f32 v3  }
0x55: {  	_ = 	snop  }
0x56: {  	v2 =	vsub.f32 v2, v0;
	_ =	sdelay $0x1  }
0x57: {  	v2 =	vmul.f32 $1.442695020e+00, v2;
	_ =	sdelay $0x1  }
0x58: {  	(erf) = vpow2.f32 v2;
	_ =	sdelay $0x4  }
0x59: {  	v2 =	vpop (erf)  }
0x5a: {  	v1 =	vadd.f32 v2, v1  }
0x5b: {  	v2 =	vpop (erf)  }
0x5c: {  	v1 =	vadd.f32 v2, v1  }
0x5d: {  	v2 =	vpop (erf)  }
0x5e: {  	v1 =	vadd.f32 v2, v1;
	_ =	sdelay $0x1  }
0x5f: {  	(xrf2) =	vadd.scan.msk.f32 $0xffff, v1;
	_ =	sdelay $0x9  }
0x60: {  	v1, _, _ =	vpop (xrf2)  }
0x61: {  	v1 =	vadd.f32 $0.0e+00, v1;
	_ =	sdelay $0x1  }
0x62: {  	v1 =	vbroadcast v1, $0xF;
	_ =	sdelay $0x1  }
0x63: {  	v2 =	vshrl.u32 v1, $0x17  }
0x64: {  	v2 =	vand.u32 $0xFF, v2  }
0x65: {  	v2 =	vadd.s32 $0xFFFFFF81, v2  }
0x66: {  	v3 =	vand.u32 $0x7FFFFF, v1;
	v2 =	vcvt.s32.f32 v2  }
0x67: {  	v3 =	vor.u32 $0x3F800000, v3  }
0x68: {  	v3 =	vadd.f32 $-1.000000000e+00, v3;
	v2 =	vmul.f32 $6.931471820e-01, v2;
	_ =	sdelay $0x1  }
0x69: {  	v2 =	vadd.f32 v2, v3;
	_ =	sdelay $0x1  }
0x6a: {  	v3 =	vsub.f32 $0.0e+00, v2;
	_ =	sdelay $0x1  }
0x6b: {  	v3 =	vmul.f32 $1.442695020e+00, v3;
	_ =	sdelay $0x1  }
0x6c: {  	(erf) = vpow2.f32 v3;
	_ =	sdelay $0x8  }
0x6d: {  	v3 =	vpop (erf)  }
0x6e: {  	v2 =	vadd.f32 $-1.000000000e+00, v2;
	v3 =	vmul.f32 v3, v1;
	_ =	sdelay $0x1  }
0x6f: {  	v2 =	vadd.f32 v3, v2;
	_ =	sdelay $0x1  }
0x70: {  	v3 =	vsub.f32 $0.0e+00, v2;
	_ =	sdelay $0x1  }
0x71: {  	v3 =	vmul.f32 $1.442695020e+00, v3;
	_ =	sdelay $0x1  }
0x72: {  	(erf) = vpow2.f32 v3;
	_ =	sdelay $0x8  }
0x73: {  	v3 =	vpop (erf)  }
0x74: {  	v2 =	vadd.f32 $-1.000000000e+00, v2;
	v3 =	vmul.f32 v3, v1;
	_ =	sdelay $0x1  }
0x75: {  	v2 =	vadd.f32 v3, v2;
	_ =	sdelay $0x1  }
0x76: {  	v3 =	vsub.f32 $0.0e+00, v2;
	_ =	sdelay $0x1  }
0x77: {  	v3 =	vmul.f32 $1.442695020e+00, v3;
	_ =	sdelay $0x1  }
0x78: {  	(erf) = vpow2.f32 v3;
	_ =	sdelay $0x8  }
0x79: {  	v3 =	vpop (erf)  }
0x7a: {  	v2 =	vadd.f32 $-1.000000000e+00, v2;
	v3 =	vmul.f32 v3, v1;
	_ =	sdelay $0x1  }
0x7b: {  	v2 =	vadd.f32 v3, v2;
	_ =	sdelay $0x1  }
0x7c: {  	v3 =	vsub.f32 $0.0e+00, v2;
	_ =	sdelay $0x1  }
0x7d: {  	v3 =	vmul.f32 $1.442695020e+00, v3;
	_ =	sdelay $0x1  }
0x7e: {  	(erf) = vpow2.f32 v3;
	_ =	sdelay $0x8  }
0x7f: {  	v3 =	vpop (erf)  }
0x80: {  	_ =	swait.ge [sflag:s20], $0x2000  }
0x81: {  	[sflag:s20] =	ssyncset.done $0x0  }
0x82: {  	[sflag:s20] =	ssyncadd.s32 $0xFFFFE000  }
0x83: {  	_ =	swait.ge [sflag:s21], $0x2000  }
0x84: {  	[sflag:s21] =	ssyncset.done $0x0  }
0x85: {  	s1 =	simm.s32 $0x280;
	[sflag:s21] =	ssyncadd.s32 $0xFFFFE000  }
0x86: {  	v4 =	vld [tilespmem:s1+$0x70]  }
0x87: {  	v5 =	vld [tilespmem:s1+$0xFFFFFF90]  }
0x88: {  	v6 =	vld [tilespmem:s1+$0xFFFFFFA0]  }
0x89: {  	v7 =	vld [tilespmem:s1+$0xFFFFFFB0]  }
0x8a: {  	v8 =	vld [tilespmem:s1+$0xFFFFFFC0]  }
0x8b: {  	v9 =	vld [tilespmem:s1+$0xFFFFFFD0]  }
0x8c: {  	v10 =	vld [tilespmem:s1+$0xFFFFFFE0]  }
0x8d: {  	v11 =	vld [tilespmem:s1+$0xFFFFFFF0]  }
0x8e: {  	v12 =	vld [tilespmem:s1+$0x0]  }
0x8f: {  	v13 =	vld [tilespmem:s1+$0x10]  }
0x90: {  	v14 =	vld [tilespmem:s1+$0x20]  }
0x91: {  	v15 =	vld [tilespmem:s1+$0x30]  }
0x92: {  	v16 =	vld [tilespmem:s1+$0x40]  }
0x93: {  	v17 =	vld [tilespmem:s1+$0x50]  }
0x94: {  	v18 =	vld [tilespmem:s1+$0x60]  }
0x95: {  	v1 =	vmul.f32 v3, v1;
	v3 =	vld [tilespmem:s1+$0xFFFFFF80]  }
0x96: {  	v2 =	vadd.f32 $-1.000000000e+00, v2;
	v4 =	vld.idx.msk [tilespmem:v4+s3+$0x0], $0xffff  }
0x97: {  	v5 =	vld.idx.msk [tilespmem:v5+s3+$0x0], $0xffff  }
0x98: {  	v1 =	vadd.f32 v1, v2;
	v2 =	vld.idx.msk [tilespmem:v6+s3+$0x0], $0xffff  }
0x99: {  	v6 =	vld.idx.msk [tilespmem:v7+s3+$0x0], $0xffff  }
0x9a: {  	v0 =	vadd.f32 v1, v0;
	v1 =	vld.idx.msk [tilespmem:v8+s3+$0x0], $0xffff  }
0x9b: {  	v7 =	vld.idx.msk [tilespmem:v9+s3+$0x0], $0xffff  }
0x9c: {  	v8 =	vld.idx.msk [tilespmem:v10+s3+$0x0], $0xffff;
	v4 =	vsub.f32 v4, v0  }
0x9d: {  	s1 =	simm.s32 $0x8280;
	v9 =	vld.idx.msk [tilespmem:v11+s3+$0x0], $0xffff;
	v5 =	vsub.f32 v5, v0  }
0x9e: {  	v10 =	vld.idx.msk [tilespmem:v3+s3+$0x0], $0xffff;
	v2 =	vsub.f32 v2, v0;
	[tilespmem:s1+$0x70] =	vst v4  }
0x9f: {  	v3 =	vsub.f32 v6, v0;
	v6 =	vld.idx.msk [tilespmem:v12+s3+$0x0], $0xffff;
	[tilespmem:s1+$0xFFFFFF90] =	vst v5  }
0xa0: {  	[tilespmem:s1+$0xFFFFFFA0] =	vst v2;
	v4 =	vsub.f32 v1, v0;
	v1 =	vld.idx.msk [tilespmem:v13+s3+$0x0], $0xffff  }
0xa1: {  	[tilespmem:s1+$0xFFFFFFB0] =	vst v3;
	v5 =	vsub.f32 v7, v0;
	v2 =	vld.idx.msk [tilespmem:v14+s3+$0x0], $0xffff  }
0xa2: {  	v7 =	vsub.f32 v8, v0;
	v3 =	vld.idx.msk [tilespmem:v15+s3+$0x0], $0xffff;
	[tilespmem:s1+$0xFFFFFFC0] =	vst v4  }
0xa3: {  	v8 =	vsub.f32 v9, v0;
	[tilespmem:s1+$0xFFFFFFD0] =	vst v5;
	v4 =	vld.idx.msk [tilespmem:v16+s3+$0x0], $0xffff  }
0xa4: {  	[tilespmem:s1+$0xFFFFFFE0] =	vst v7;
	v5 =	vld.idx.msk [tilespmem:v17+s3+$0x0], $0xffff;
	v7 =	vsub.f32 v10, v0  }
0xa5: {  	s15 =	simm.s32 $0x0;
	s16 =	simm.s32 $0x380;
	[tilespmem:s1+$0xFFFFFFF0] =	vst v8;
	v8 =	vsub.f32 v6, v0;
	v6 =	vld.idx.msk [tilespmem:v18+s3+$0x0], $0xffff  }
.LBB2_4:
0xa6: {  	v9 =	vld [tilespmem:s16+$0x70];
	s15 =	sadd.s32 $0x100, s15;
	[tilespmem:s1+$0xFFFFFF80] =	vst v7;
	v1 =	vsub.f32 v1, v0  }
0xa7: {  	v2 =	vsub.f32 v2, v0;
	v7 =	vld [tilespmem:s16+$0xFFFFFF90];
	p0 =	slt.u32 s15, $0x3F00;
	[tilespmem:s1+$0x0] =	vst v8  }
0xa8: {  	v8 =	vld [tilespmem:s16+$0xFFFFFFA0];
	[tilespmem:s1+$0x10] =	vst v1;
	v1 =	vsub.f32 v3, v0  }
0xa9: {  	v3 =	vld [tilespmem:s16+$0xFFFFFFB0];
	[tilespmem:s1+$0x20] =	vst v2;
	v2 =	vsub.f32 v4, v0  }
0xaa: {  	v4 =	vld [tilespmem:s16+$0xFFFFFFC0];
	[tilespmem:s1+$0x30] =	vst v1;
	v1 =	vsub.f32 v5, v0  }
0xab: {  	v5 =	vld [tilespmem:s16+$0xFFFFFFD0];
	[tilespmem:s1+$0x40] =	vst v2;
	v2 =	vsub.f32 v6, v0  }
0xac: {  	v6 =	vld [tilespmem:s16+$0xFFFFFFE0];
	[tilespmem:s1+$0x50] =	vst v1  }
0xad: {  	v1 =	vld [tilespmem:s16+$0xFFFFFFF0];
	[tilespmem:s1+$0x60] =	vst v2  }
0xae: {  	v2 =	vld.idx.msk [tilespmem:v9+s3+$0x0], $0xffff  }
0xaf: {  	v9 =	vld [tilespmem:s16+$0x0]  }
0xb0: {  	v10 =	vld [tilespmem:s16+$0x10]  }
0xb1: {  	v11 =	vld [tilespmem:s16+$0x20]  }
0xb2: {  	v12 =	vld [tilespmem:s16+$0x30]  }
0xb3: {  	v13 =	vld [tilespmem:s16+$0x40]  }
0xb4: {  	v2 =	vsub.f32 v2, v0;
	v14 =	vld [tilespmem:s16+$0x50]  }
0xb5: {  	s1 =	sadd.s32 $0x100, s1;
	v15 =	vld [tilespmem:s16+$0x60]  }
0xb6: {  	v16 =	vld [tilespmem:s16+$0xFFFFFF80];
	[tilespmem:s1+$0x70] =	vst v2  }
0xb7: {  	v2 =	vld.idx.msk [tilespmem:v7+s3+$0x0], $0xffff  }
0xb8: {  	v7 =	vld.idx.msk [tilespmem:v8+s3+$0x0], $0xffff  }
0xb9: {  	v3 =	vld.idx.msk [tilespmem:v3+s3+$0x0], $0xffff  }
0xba: {  	v4 =	vld.idx.msk [tilespmem:v4+s3+$0x0], $0xffff  }
0xbb: {  	v5 =	vld.idx.msk [tilespmem:v5+s3+$0x0], $0xffff  }
0xbc: {  	v6 =	vld.idx.msk [tilespmem:v6+s3+$0x0], $0xffff  }
0xbd: {  	v2 =	vsub.f32 v2, v0;
	v8 =	vld.idx.msk [tilespmem:v1+s3+$0x0], $0xffff  }
0xbe: {  	v1 =	vsub.f32 v7, v0;
	v16 =	vld.idx.msk [tilespmem:v16+s3+$0x0], $0xffff  }
0xbf: {  	[tilespmem:s1+$0xFFFFFF90] =	vst v2;
	v2 =	vsub.f32 v3, v0;
	v9 =	vld.idx.msk [tilespmem:v9+s3+$0x0], $0xffff  }
0xc0: {  	v3 =	vsub.f32 v4, v0;
	[tilespmem:s1+$0xFFFFFFA0] =	vst v1;
	v1 =	vld.idx.msk [tilespmem:v10+s3+$0x0], $0xffff  }
.Ltmp1:
0xc1: {  	v4 =	vsub.f32 v5, v0;
	[tilespmem:s1+$0xFFFFFFB0] =	vst v2;
	v2 =	vld.idx.msk [tilespmem:v11+s3+$0x0], $0xffff;
	(pc) =	sbr.rel @p0 .LBB2_4-.Ltmp1, $4  }
0xc2: {  	v5 =	vsub.f32 v6, v0;
	[tilespmem:s1+$0xFFFFFFC0] =	vst v3;
	v3 =	vld.idx.msk [tilespmem:v12+s3+$0x0], $0xffff  }
0xc3: {  	v6 =	vsub.f32 v8, v0;
	[tilespmem:s1+$0xFFFFFFD0] =	vst v4;
	v4 =	vld.idx.msk [tilespmem:v13+s3+$0x0], $0xffff  }
0xc4: {  	v7 =	vsub.f32 v16, v0;
	[tilespmem:s1+$0xFFFFFFE0] =	vst v5;
	v5 =	vld.idx.msk [tilespmem:v14+s3+$0x0], $0xffff  }
0xc5: {  	s16 =	sadd.s32 $0x100, s16;
	v8 =	vsub.f32 v9, v0;
	[tilespmem:s1+$0xFFFFFFF0] =	vst v6;
	v6 =	vld.idx.msk [tilespmem:v15+s3+$0x0], $0xffff  }
0xc6: {  	[tilespmem:s1+$0xFFFFFF80] =	vst v7;
	v1 =	vsub.f32 v1, v0  }
0xc7: {  	v2 =	vsub.f32 v2, v0;
	[tilespmem:s1+$0x0] =	vst v8  }
0xc8: {  	[tilespmem:s1+$0x10] =	vst v1;
	v1 =	vsub.f32 v3, v0  }
0xc9: {  	[tilespmem:s1+$0x20] =	vst v2;
	v2 =	vsub.f32 v4, v0  }
0xca: {  	[tilespmem:s1+$0x30] =	vst v1;
	v1 =	vsub.f32 v5, v0  }
0xcb: {  	[tilespmem:s1+$0x40] =	vst v2;
	v2 =	vsub.f32 v6, v0  }
0xcc: {  	[tilespmem:s1+$0x50] =	vst v1  }
0xcd: {  	[tilespmem:s1+$0x60] =	vst v2  }
0xce: {  	[hbm4b:s8+s13] =	stream.strided.scatter [tilespmem:s22], [sflag:$0x5], $0x2000, s14, s13, $0x38;
	[tilespmem:$0x10200] =	vst v63  }
0xcf: {  	_ = 	snop  }
0xd0: {  	[hbm4b:s9+s13] =	stream.strided.scatter [tilespmem:s23], [sflag:$0x6], $0x2000, s14, s13, $0x38;
	[tilespmem:$0x10200] =	vst v63  }
0xd1: {  	_ =	swait.ge [sflag:s24], $0x2000  }
0xd2: {  	[sflag:s24] =	ssyncset.done $0x0  }
0xd3: {  	[sflag:s24] =	ssyncadd.s32 $0xFFFFE000  }
0xd4: {  	_ =	swait.ge [sflag:s25], $0x2000  }
0xd5: {  	[sflag:s25] =	ssyncset.done $0x0  }
0xd6: {  	s1 =	simm.s32 $0x0;
	[sflag:s25] =	ssyncadd.s32 $0xFFFFE000  }
0xd7: {  	v1 =	vld [tilespmem:s1+$0x42F0]  }
0xd8: {  	v2 =	vld [tilespmem:s1+$0x4200]  }
0xd9: {  	v3 =	vld [tilespmem:s1+$0x4210]  }
0xda: {  	v4 =	vld [tilespmem:s1+$0x4220]  }
0xdb: {  	v5 =	vld [tilespmem:s1+$0x4230]  }
0xdc: {  	v6 =	vld [tilespmem:s1+$0x4240]  }
0xdd: {  	v7 =	vld [tilespmem:s1+$0x4250]  }
0xde: {  	v8 =	vld [tilespmem:s1+$0x4260]  }
0xdf: {  	v10 =	vld [tilespmem:s1+$0x4270]  }
0xe0: {  	v11 =	vld [tilespmem:s1+$0x4280]  }
0xe1: {  	v12 =	vld [tilespmem:s1+$0x4290]  }
0xe2: {  	v13 =	vld [tilespmem:s1+$0x42A0]  }
0xe3: {  	v14 =	vld [tilespmem:s1+$0x42B0]  }
0xe4: {  	v15 =	vld [tilespmem:s1+$0x42C0]  }
0xe5: {  	v16 =	vld [tilespmem:s1+$0x42D0]  }
0xe6: {  	v9 =	vld.idx.msk [tilespmem:v1+s3+$0x0], $0xffff  }
0xe7: {  	v1 =	vld [tilespmem:s1+$0x42E0]  }
0xe8: {  	v2 =	vld.idx.msk [tilespmem:v2+s3+$0x0], $0xffff  }
0xe9: {  	v3 =	vld.idx.msk [tilespmem:v3+s3+$0x0], $0xffff  }
0xea: {  	v4 =	vld.idx.msk [tilespmem:v4+s3+$0x0], $0xffff  }
0xeb: {  	v5 =	vld.idx.msk [tilespmem:v5+s3+$0x0], $0xffff  }
0xec: {  	v6 =	vld.idx.msk [tilespmem:v6+s3+$0x0], $0xffff  }
0xed: {  	v7 =	vld.idx.msk [tilespmem:v7+s3+$0x0], $0xffff;
	v9 =	vsub.f32 v9, v0  }
0xee: {  	v8 =	vld.idx.msk [tilespmem:v8+s3+$0x0], $0xffff;
	v2 =	vsub.f32 v2, v0  }
0xef: {  	v10 =	vld.idx.msk [tilespmem:v10+s3+$0x0], $0xffff;
	v3 =	vsub.f32 v3, v0;
	[tilespmem:s1+$0xC2F0] =	vst v9  }
0xf0: {  	v5 =	vsub.f32 v5, v0;
	[tilespmem:s1+$0xC200] =	vst v2;
	v9 =	vsub.f32 v4, v0;
	v4 =	vld.idx.msk [tilespmem:v11+s3+$0x0], $0xffff  }
0xf1: {  	v6 =	vsub.f32 v6, v0;
	[tilespmem:s1+$0xC210] =	vst v3;
	v2 =	vld.idx.msk [tilespmem:v12+s3+$0x0], $0xffff  }
0xf2: {  	v3 =	vld.idx.msk [tilespmem:v13+s3+$0x0], $0xffff;
	[tilespmem:s1+$0xC230] =	vst v5  }
0xf3: {  	v7 =	vsub.f32 v7, v0;
	v5 =	vld.idx.msk [tilespmem:v14+s3+$0x0], $0xffff;
	[tilespmem:s1+$0xC240] =	vst v6  }
0xf4: {  	v6 =	vld.idx.msk [tilespmem:v15+s3+$0x0], $0xffff;
	[tilespmem:s1+$0xC220] =	vst v9;
	v9 =	vsub.f32 v8, v0  }
0xf5: {  	s15 =	simm.s32 $0x4000;
	s16 =	simm.s32 $0x400;
	[tilespmem:s1+$0xC250] =	vst v7;
	v7 =	vld.idx.msk [tilespmem:v16+s3+$0x0], $0xffff;
	v8 =	vsub.f32 v10, v0  }
.LBB2_6:
0xf6: {  	s17 =	sshra.s32 s16, $0x2;
	s15 =	sadd.s32 $0x100, s15;
	[tilespmem:s1+$0xC260] =	vst v9;
	v4 =	vsub.f32 v4, v0;
	v1 =	vld.idx.msk [tilespmem:v1+s3+$0x0], $0xffff  }
0xf7: {  	v2 =	vsub.f32 v2, v0;
	v9 =	vld [tilespmem:s17+$0x42F0];
	p0 =	slt.u32 s15, $0x7F00;
	[tilespmem:s1+$0xC270] =	vst v8  }
0xf8: {  	v3 =	vsub.f32 v3, v0;
	v8 =	vld [tilespmem:s17+$0x4200];
	[tilespmem:s1+$0xC280] =	vst v4  }
0xf9: {  	v4 =	vld [tilespmem:s17+$0x4210];
	[tilespmem:s1+$0xC290] =	vst v2;
	v2 =	vsub.f32 v5, v0  }
0xfa: {  	v5 =	vld [tilespmem:s17+$0x4220];
	[tilespmem:s1+$0xC2A0] =	vst v3;
	v3 =	vsub.f32 v6, v0  }
0xfb: {  	v6 =	vld [tilespmem:s17+$0x4230];
	[tilespmem:s1+$0xC2B0] =	vst v2;
	v2 =	vsub.f32 v7, v0  }
0xfc: {  	v1 =	vsub.f32 v1, v0;
	v7 =	vld [tilespmem:s17+$0x4240];
	[tilespmem:s1+$0xC2C0] =	vst v3  }
0xfd: {  	v3 =	vld [tilespmem:s17+$0x4250];
	[tilespmem:s1+$0xC2D0] =	vst v2  }
0xfe: {  	v2 =	vld [tilespmem:s17+$0x4260];
	[tilespmem:s1+$0xC2E0] =	vst v1;
	s1 =	smov.u32 s17  }
0xff: {  	v1 =	vld.idx.msk [tilespmem:v9+s3+$0x0], $0xffff  }
0x100: {  	v9 =	vld [tilespmem:s1+$0x4270]  }
0x101: {  	v10 =	vld [tilespmem:s1+$0x4280]  }
0x102: {  	v11 =	vld [tilespmem:s1+$0x4290]  }
0x103: {  	v12 =	vld [tilespmem:s1+$0x42A0]  }
0x104: {  	v13 =	vld [tilespmem:s1+$0x42B0]  }
0x105: {  	v15 =	vsub.f32 v1, v0;
	v14 =	vld [tilespmem:s1+$0x42C0]  }
0x106: {  	v16 =	vld [tilespmem:s1+$0x42D0]  }
0x107: {  	v1 =	vld [tilespmem:s1+$0x42E0];
	[tilespmem:s1+$0xC2F0] =	vst v15  }
0x108: {  	v8 =	vld.idx.msk [tilespmem:v8+s3+$0x0], $0xffff  }
0x109: {  	v4 =	vld.idx.msk [tilespmem:v4+s3+$0x0], $0xffff  }
0x10a: {  	v5 =	vld.idx.msk [tilespmem:v5+s3+$0x0], $0xffff  }
0x10b: {  	v6 =	vld.idx.msk [tilespmem:v6+s3+$0x0], $0xffff  }
0x10c: {  	v7 =	vld.idx.msk [tilespmem:v7+s3+$0x0], $0xffff  }
0x10d: {  	v15 =	vld.idx.msk [tilespmem:v3+s3+$0x0], $0xffff  }
0x10e: {  	v3 =	vsub.f32 v8, v0;
	v8 =	vld.idx.msk [tilespmem:v2+s3+$0x0], $0xffff  }
0x10f: {  	v2 =	vsub.f32 v4, v0;
	v17 =	vld.idx.msk [tilespmem:v9+s3+$0x0], $0xffff  }
0x110: {  	[tilespmem:s1+$0xC200] =	vst v3;
	v3 =	vsub.f32 v5, v0;
	v4 =	vld.idx.msk [tilespmem:v10+s3+$0x0], $0xffff  }
.Ltmp2:
0x111: {  	v5 =	vsub.f32 v6, v0;
	[tilespmem:s1+$0xC210] =	vst v2;
	v2 =	vld.idx.msk [tilespmem:v11+s3+$0x0], $0xffff;
	(pc) =	sbr.rel @p0 .LBB2_6-.Ltmp2, $4  }
0x112: {  	v6 =	vsub.f32 v7, v0;
	[tilespmem:s1+$0xC220] =	vst v3;
	v3 =	vld.idx.msk [tilespmem:v12+s3+$0x0], $0xffff  }
0x113: {  	v7 =	vsub.f32 v15, v0;
	[tilespmem:s1+$0xC230] =	vst v5;
	v5 =	vld.idx.msk [tilespmem:v13+s3+$0x0], $0xffff  }
0x114: {  	v9 =	vsub.f32 v8, v0;
	[tilespmem:s1+$0xC240] =	vst v6;
	v6 =	vld.idx.msk [tilespmem:v14+s3+$0x0], $0xffff  }
0x115: {  	s16 =	sadd.s32 $0x400, s16;
	v8 =	vsub.f32 v17, v0;
	[tilespmem:s1+$0xC250] =	vst v7;
	v7 =	vld.idx.msk [tilespmem:v16+s3+$0x0], $0xffff  }
0x116: {  	_ =	sdelay $0x2  }
0x117: {  	[tilespmem:s1+$0xC260] =	vst v9;
	v4 =	vsub.f32 v4, v0  }
0x118: {  	v1 =	vld.idx.msk [tilespmem:v1+s3+$0x0], $0xffff;
	v2 =	vsub.f32 v2, v0;
	[tilespmem:s1+$0xC270] =	vst v8  }
0x119: {  	v3 =	vsub.f32 v3, v0;
	[tilespmem:s1+$0xC280] =	vst v4  }
0x11a: {  	[tilespmem:s1+$0xC290] =	vst v2;
	v60 =	vsub.f32 v5, v0  }
0x11b: {  	[tilespmem:s1+$0xC2A0] =	vst v3;
	v61 =	vsub.f32 v6, v0  }
0x11c: {  	[tilespmem:s1+$0xC2B0] =	vst v60;
	v62 =	vsub.f32 v7, v0  }
0x11d: {  	[tilespmem:s1+$0xC2C0] =	vst v61;
	v63 =	vsub.f32 v1, v0  }
0x11e: {  	[tilespmem:s1+$0xC2D0] =	vst v62  }
0x11f: {  	[tilespmem:s1+$0xC2E0] =	vst v63  }
0x120: {  	[hbm4b:s10+s13] =	stream.strided.scatter [tilespmem:s26], [sflag:$0x7], $0x2000, s14, s13, $0x38;
	[tilespmem:$0x10200] =	vst v63  }
0x121: {  	_ = 	snop  }
0x122: {  	[hbm4b:s11+s13] =	stream.strided.scatter [tilespmem:s28], [sflag:$0x8], $0x2000, s14, s13, $0x38;
	[tilespmem:$0x10200] =	vst v63  }
0x123: {  	_ =	swait.ge [sflag:s29], $0x2000  }
0x124: {  	[sflag:s29] =	ssyncset.done $0x0  }
0x125: {  	[sflag:s29] =	ssyncadd.s32 $0xFFFFE000  }
0x126: {  	_ =	swait.ge [sflag:s30], $0x2000  }
0x127: {  	[sflag:s30] =	ssyncset.done $0x0  }
0x128: {  	s2 =	sadd.s32 $0x1, s2;
	[sflag:s30] =	ssyncadd.s32 $0xFFFFE000  }
0x129: {  	p0 =	sne.s32 s2, s12;
	_ =	swait.ge [sflag:s31], $0x2000  }
.Ltmp3:
0x12a: {  	[sflag:s31] =	ssyncset.done $0x0;
	(pc) =	sbr.rel @p0 .LBB2_1-.Ltmp3, $4  }
0x12b: {  	[sflag:s31] =	ssyncadd.s32 $0xFFFFE000  }
0x12c: {  	_ =	swait.ge [sflag:s0], $0x2000  }
0x12d: {  	[sflag:s0] =	ssyncset.done $0x0  }
0x12e: {  	[sflag:s0] =	ssyncadd.s32 $0xFFFFE000  }
0x12f: {  	_ =	sfence.sel $0x180000  }
0x130: {  	[bflag:$0x0] =	sbarrier.arrive $0xFFFF  }
0x131: {  	_ =	strace $0x90000047  }
0x132: {  	s0 =	stileid.u32;
	[bflag:$0x2] =	sbarrier.arrive $0xFFFF  }
0x133: {  	p0 =	sne.s32 s0, $0x0;
	s0 =	rddreg [dreg:$0x3]  }
0x134: {  	s0 =	sadd.s32 @!p0 $0x100000, s0  }
0x135: {  	[sflag:s0] =	ssyncadd.tile.s32 @!p0 $0x1;
	_ =	shalt  }
.Lfunc_end2:
_tile_overlayer_lowered:
.L_overlay_start_2:
0x136: {  	(tag) =	ssettag $0x2  }
0x137: {  	s0 =	rddreg [dreg:$0x0];
	s2 =	stileid.u32  }
0x138: {  	s1 =	rddreg [dreg:$0x1];
	p0 =	sne.s32 s2, $0x0  }
0x139: {  	s3 =	rddreg [dreg:$0x2];
	[bflag:$0x3] =	sbarrier.arrive $0xFFFF;
	s2 =	simm.s32 @!p0 $0x1C09  }
0x13a: {  	[timem:s3], [sflag:s2] =	dma.local @!p0 [hbm:s0], s1  }
0x13b: {  	s0 =	simm.s32 @!p0 $0x9  }
0x13c: {  	_ =	swait.ge @!p0 [sflag:s0], s1  }
0x13d: {  	s1 =	ssub.s32 @!p0 $0x0, s1;
	[sflag:s0] =	ssyncset.done @!p0 $0x0  }
0x13e: {  	[sflag:s0] =	ssyncadd.s32 @!p0 s1  }
0x13f: {  	[bflag:$0x3] =	sbarrier.arrive $0xFFFF  }
0x140: {  	_ =	shalt  }

</sc_bundles>
